<compile_context>
chip_gen: v7x
topology: tpu7x:2x2x1
jax: 0.10.2.dev20260603
libtpu: 0.0.44.dev20260713+nightly
codegen_flags: <defaults>
</compile_context>

<pallas_src>
import functools

import jax
import jax.numpy as jnp
from jax import lax
from jax.experimental import pallas as pl
from jax.experimental.pallas import tpu as pltpu
from jax.experimental.pallas import tpu_sc as plsc

SITE_EMBED_DIM = 64

_NC = 2
_NS = 16
_NW = _NC * _NS

_B = 256
_NSLOT = 4


def _gather_kernel(
    n_chunks, d, idx_hbm, table_hbm, out_hbm, idx_v, table_v, rows_v, gsems, wsems
):
    wid = lax.axis_index("s") * _NC + lax.axis_index("c")
    base = wid * (n_chunks * _B)

    sid = lax.axis_index("s")

    @pl.when(sid == 0)
    def _():
        pltpu.sync_copy(table_hbm, table_v)

    pltpu.sync_copy(idx_hbm.at[wid], idx_v)
    plsc.subcore_barrier()

    def gather(u, slot):
        pltpu.async_copy(
            table_v.at[idx_v.at[pl.ds(u * _B, _B)]], rows_v.at[slot], gsems[slot]
        )

    def gather_wait(slot):
        pltpu.make_async_copy(
            table_v.at[idx_v.at[pl.ds(0, _B)]], rows_v.at[slot], gsems[slot]
        ).wait()

    def write(u, slot):
        pltpu.async_copy(
            rows_v.at[slot],
            out_hbm.at[pl.ds(base + u * _B, _B), pl.ds(0, d)],
            wsems[slot],
        )

    def write_wait(slot):
        pltpu.make_async_copy(
            rows_v.at[slot], out_hbm.at[pl.ds(base, _B), pl.ds(0, d)], wsems[slot]
        ).wait()

    gather(0, 0)
    gather(1, 1)
    gather_wait(0)
    write(0, 0)
    gather(2, 2)
    gather_wait(1)
    write(1, 1)
    gather(3, 3)

    def body(k, carry):
        u0 = 2 + 4 * k
        for j in range(4):
            u = u0 + j
            s = (2 + j) % _NSLOT
            sr = j % _NSLOT
            gather_wait(s)
            write(u, s)
            write_wait(sr)
            gather(u + 2, sr)
        return carry

    lax.fori_loop(0, (n_chunks - 4) // 4, body, 0)

    gather_wait(2)
    write(n_chunks - 2, 2)
    gather_wait(3)
    write(n_chunks - 1, 3)
    write_wait(0)
    write_wait(1)
    write_wait(2)
    write_wait(3)


def kernel(x, embed_site):
    n_rows, n_cols = x.shape
    d = embed_site.shape[1]
    total = n_rows * n_cols
    assert total % (_NW * _B) == 0
    n_chunks = total // (_NW * _B)
    assert (n_chunks - 4) % 4 == 0

    idx = x.reshape(_NW, n_chunks * _B).astype(jnp.int32)

    mesh = plsc.VectorSubcoreMesh(
        core_axis_name="c", subcore_axis_name="s", num_cores=_NC, num_subcores=_NS
    )
    run = pl.kernel(
        functools.partial(_gather_kernel, n_chunks, d),
        out_type=jax.ShapeDtypeStruct((total, 2 * d), jnp.float32),
        mesh=mesh,
        scratch_types=[
            pltpu.VMEM((n_chunks * _B,), jnp.int32),
            pltpu.VMEM_SHARED(embed_site.shape, jnp.float32),
            pltpu.VMEM((_NSLOT, _B, d), jnp.float32),
            [pltpu.SemaphoreType.DMA] * _NSLOT,
            [pltpu.SemaphoreType.DMA] * _NSLOT,
        ],
        compiler_params=pltpu.CompilerParams(use_tc_tiling_on_sc=False),
    )
    return run(idx, embed_site)[:, :d]

# --- scband reference (transcript-rebuilt; emitter-appended) ---
"""Pipeline reference for scband-build-model-48945447306003 (READ-ONLY COPY).

The authoritative reference and input builder live on the scoring server;
editing this copy changes nothing except your own understanding.
"""

import jax, jax.numpy as jnp
import numpy as np

SITE_EMBED_DIM = 64
NUM_EMBEDDINGS = 205

def setup_inputs(seed: int = 0) -> dict:
    key = jax.random.key(seed)
    k1, k2 = jax.random.split(key)
    x = jax.random.randint(k1, (16384, 50), 0, NUM_EMBEDDINGS, dtype=jnp.int64 if jax.config.jax_enable_x64 else jnp.int32)
    embed_site = jax.random.normal(k2, (NUM_EMBEDDINGS, SITE_EMBED_DIM), dtype=jnp.float32)
    return {"x": x, "embed_site": embed_site}

def reference(x, embed_site):
    # site = x[0]  (computed but unused in original forward)
    site = x[0]
    out = jnp.take(embed_site, x, axis=0)
    out = out.reshape(-1, SITE_EMBED_DIM)
    return out

if __name__ == "__main__":
    import jax
    _d = setup_inputs()
    print(jax.jit(kernel)(*tuple(_d.values())))

</pallas_src>

<mosaic_0001>
#map = affine_map<(d0, d1) -> (0, 0)>
module attributes {stable_mosaic.version = 14 : i64} {
  func.func @_gather_kernel(%arg0: i32, %arg1: i32, %arg2: memref<32x25600xi32, #tpu.memory_space<hbm>>, %arg3: memref<205x64xf32, #tpu.memory_space<hbm>>, %arg4: memref<819200x128xf32, #tpu.memory_space<hbm>>, %arg5: memref<25600xi32, #tpu.memory_space<vmem>>, %arg6: memref<205x64xf32, #tpu.memory_space<vmem_shared>>, %arg7: memref<4x256x64xf32, #tpu.memory_space<vmem>>, %arg8: memref<!tpu.dma_semaphore, #tpu.memory_space<semaphore_mem>>, %arg9: memref<!tpu.dma_semaphore, #tpu.memory_space<semaphore_mem>>, %arg10: memref<!tpu.dma_semaphore, #tpu.memory_space<semaphore_mem>>, %arg11: memref<!tpu.dma_semaphore, #tpu.memory_space<semaphore_mem>>, %arg12: memref<!tpu.dma_semaphore, #tpu.memory_space<semaphore_mem>>, %arg13: memref<!tpu.dma_semaphore, #tpu.memory_space<semaphore_mem>>, %arg14: memref<!tpu.dma_semaphore, #tpu.memory_space<semaphore_mem>>, %arg15: memref<!tpu.dma_semaphore, #tpu.memory_space<semaphore_mem>>) attributes {dimension_semantics = [#tpu.dimension_semantics<core_parallel>, #tpu.dimension_semantics<subcore_parallel>], iteration_bounds = array<i64: 2, 16>, scalar_prefetch = 0 : i64, scratch_operands = 11 : i64, tpu.core_type = #tpu.core_type<sc_vector_subcore>, window_params = [{transform_indices = #map}, {transform_indices = #map}, {transform_indices = #map}]} {
    %mul3A = arith.constant 2 : i32
    %mul3A_0 = arith.muli %arg1, %mul3A : i32
    %add3A = arith.addi %mul3A_0, %arg0 : i32
    %mul3A_1 = arith.constant 25600 : i32
    %mul3A_2 = arith.muli %add3A, %mul3A_1 : i32
    %eq3A = arith.constant 0 : i32
    %eq3A_3 = arith.cmpi eq, %arg1, %eq3A : i32
    %convert_element_type3A = arith.extui %eq3A_3 : i1 to i32
    %cond3A = arith.constant 0 : i32
    %cond3A_4 = arith.cmpi ne, %convert_element_type3A, %cond3A : i32
    scf.if %cond3A_4 {
      "tpu.region"() ({
        %run_scoped3A = tpu.sem_alloc : memref<!tpu.dma_semaphore, #tpu.memory_space<semaphore_mem>>
        tpu.enqueue_dma source(%arg3 : memref<205x64xf32, #tpu.memory_space<hbm>>) target(%arg6 : memref<205x64xf32, #tpu.memory_space<vmem_shared>>) target_semaphore(%run_scoped3A : memref<!tpu.dma_semaphore, #tpu.memory_space<semaphore_mem>>)
        tpu.wait_dma2 semaphore(%run_scoped3A : memref<!tpu.dma_semaphore, #tpu.memory_space<semaphore_mem>>) src(%arg3 : memref<205x64xf32, #tpu.memory_space<hbm>>) dst(%arg6 : memref<205x64xf32, #tpu.memory_space<vmem_shared>>)
        tpu.yield
      }) : () -> ()
    } else {
    }
    "tpu.region"() ({
      %run_scoped3A = tpu.sem_alloc : memref<!tpu.dma_semaphore, #tpu.memory_space<semaphore_mem>>
      %dma_start3A_200 = arith.constant 0 : i32
      %dma_start3A_201 = tpu.memref_slice %arg2[%add3A, %dma_start3A_200] : memref<32x25600xi32, #tpu.memory_space<hbm>> -> memref<1x25600xi32, #tpu.memory_space<hbm>>
      %dma_start3A_202 = tpu.memref_squeeze %dma_start3A_201 : memref<1x25600xi32, #tpu.memory_space<hbm>> -> memref<25600xi32, #tpu.memory_space<hbm>>
      %dma_start3A_203 = arith.constant 0 : i32
      %dma_start3A_204 = tpu.memref_slice %arg2[%add3A, %dma_start3A_203] : memref<32x25600xi32, #tpu.memory_space<hbm>> -> memref<1x25600xi32, #tpu.memory_space<hbm>>
      %dma_start3A_205 = tpu.memref_squeeze %dma_start3A_204 : memref<1x25600xi32, #tpu.memory_space<hbm>> -> memref<25600xi32, #tpu.memory_space<hbm>>
      tpu.enqueue_dma source(%dma_start3A_205 : memref<25600xi32, #tpu.memory_space<hbm>>) target(%arg5 : memref<25600xi32, #tpu.memory_space<vmem>>) target_semaphore(%run_scoped3A : memref<!tpu.dma_semaphore, #tpu.memory_space<semaphore_mem>>)
      %dma_wait3A_206 = arith.constant 0 : i32
      %dma_wait3A_207 = tpu.memref_slice %arg2[%add3A, %dma_wait3A_206] : memref<32x25600xi32, #tpu.memory_space<hbm>> -> memref<1x25600xi32, #tpu.memory_space<hbm>>
      %dma_wait3A_208 = tpu.memref_squeeze %dma_wait3A_207 : memref<1x25600xi32, #tpu.memory_space<hbm>> -> memref<25600xi32, #tpu.memory_space<hbm>>
      %dma_wait3A_209 = arith.constant 0 : i32
      %dma_wait3A_210 = tpu.memref_slice %arg2[%add3A, %dma_wait3A_209] : memref<32x25600xi32, #tpu.memory_space<hbm>> -> memref<1x25600xi32, #tpu.memory_space<hbm>>
      %dma_wait3A_211 = tpu.memref_squeeze %dma_wait3A_210 : memref<1x25600xi32, #tpu.memory_space<hbm>> -> memref<25600xi32, #tpu.memory_space<hbm>>
      tpu.wait_dma2 semaphore(%run_scoped3A : memref<!tpu.dma_semaphore, #tpu.memory_space<semaphore_mem>>) src(%dma_wait3A_211 : memref<25600xi32, #tpu.memory_space<hbm>>) dst(%arg5 : memref<25600xi32, #tpu.memory_space<vmem>>)
      tpu.yield
    }) : () -> ()
    %barrier3A = arith.constant 0 : index
    tpu.barrier barrier_id(%barrier3A)
    %dma_start3A = arith.constant 0 : i32
    %dma_start3A_5 = arith.constant 0 : i32
    %dma_start3A_6 = arith.constant 0 : i32
    %dma_start3A_7 = tpu.memref_slice %arg7[%dma_start3A, %dma_start3A_5, %dma_start3A_6] : memref<4x256x64xf32, #tpu.memory_space<vmem>> -> memref<1x256x64xf32, #tpu.memory_space<vmem>>
    %dma_start3A_8 = tpu.memref_squeeze %dma_start3A_7 : memref<1x256x64xf32, #tpu.memory_space<vmem>> -> memref<256x64xf32, #tpu.memory_space<vmem>>
    %dma_start3A_9 = arith.constant 0 : i32
    %dma_start3A_10 = tpu.memref_slice %arg5[%dma_start3A_9] : memref<25600xi32, #tpu.memory_space<vmem>> -> memref<256xi32, #tpu.memory_space<vmem>>
    %dma_start3A_11 = arith.constant 0 : i32
    %dma_start3A_12 = arith.constant 0 : i32
    %dma_start3A_13 = tpu.memref_slice %arg6[%dma_start3A_11, %dma_start3A_12] : memref<205x64xf32, #tpu.memory_space<vmem_shared>> -> memref<205x64xf32, #tpu.memory_space<vmem_shared>>
    tpu.enqueue_indirect_dma source(%dma_start3A_13 : memref<205x64xf32, #tpu.memory_space<vmem_shared>>) target(%dma_start3A_8 : memref<256x64xf32, #tpu.memory_space<vmem>>) offsets(%dma_start3A_10 : memref<256xi32, #tpu.memory_space<vmem>>) semaphore(%arg8 : memref<!tpu.dma_semaphore, #tpu.memory_space<semaphore_mem>>)
    %dma_start3A_14 = arith.constant 1 : i32
    %dma_start3A_15 = arith.constant 0 : i32
    %dma_start3A_16 = arith.constant 0 : i32
    %dma_start3A_17 = tpu.memref_slice %arg7[%dma_start3A_14, %dma_start3A_15, %dma_start3A_16] : memref<4x256x64xf32, #tpu.memory_space<vmem>> -> memref<1x256x64xf32, #tpu.memory_space<vmem>>
    %dma_start3A_18 = tpu.memref_squeeze %dma_start3A_17 : memref<1x256x64xf32, #tpu.memory_space<vmem>> -> memref<256x64xf32, #tpu.memory_space<vmem>>
    %dma_start3A_19 = arith.constant 256 : i32
    %dma_start3A_20 = tpu.memref_slice %arg5[%dma_start3A_19] : memref<25600xi32, #tpu.memory_space<vmem>> -> memref<256xi32, #tpu.memory_space<vmem>>
    %dma_start3A_21 = arith.constant 0 : i32
    %dma_start3A_22 = arith.constant 0 : i32
    %dma_start3A_23 = tpu.memref_slice %arg6[%dma_start3A_21, %dma_start3A_22] : memref<205x64xf32, #tpu.memory_space<vmem_shared>> -> memref<205x64xf32, #tpu.memory_space<vmem_shared>>
    tpu.enqueue_indirect_dma source(%dma_start3A_23 : memref<205x64xf32, #tpu.memory_space<vmem_shared>>) target(%dma_start3A_18 : memref<256x64xf32, #tpu.memory_space<vmem>>) offsets(%dma_start3A_20 : memref<256xi32, #tpu.memory_space<vmem>>) semaphore(%arg9 : memref<!tpu.dma_semaphore, #tpu.memory_space<semaphore_mem>>)
    %dma_wait3A = arith.constant 0 : i32
    %dma_wait3A_24 = arith.constant 0 : i32
    %dma_wait3A_25 = arith.constant 0 : i32
    %dma_wait3A_26 = tpu.memref_slice %arg7[%dma_wait3A, %dma_wait3A_24, %dma_wait3A_25] : memref<4x256x64xf32, #tpu.memory_space<vmem>> -> memref<1x256x64xf32, #tpu.memory_space<vmem>>
    %dma_wait3A_27 = tpu.memref_squeeze %dma_wait3A_26 : memref<1x256x64xf32, #tpu.memory_space<vmem>> -> memref<256x64xf32, #tpu.memory_space<vmem>>
    %dma_wait3A_28 = arith.constant 0 : i32
    %dma_wait3A_29 = tpu.memref_slice %arg5[%dma_wait3A_28] : memref<25600xi32, #tpu.memory_space<vmem>> -> memref<256xi32, #tpu.memory_space<vmem>>
    %dma_wait3A_30 = arith.constant 0 : i32
    %dma_wait3A_31 = arith.constant 0 : i32
    %dma_wait3A_32 = tpu.memref_slice %arg6[%dma_wait3A_30, %dma_wait3A_31] : memref<205x64xf32, #tpu.memory_space<vmem_shared>> -> memref<205x64xf32, #tpu.memory_space<vmem_shared>>
    tpu.wait_indirect_dma semaphore(%arg8 : memref<!tpu.dma_semaphore, #tpu.memory_space<semaphore_mem>>) src(%dma_wait3A_32 : memref<205x64xf32, #tpu.memory_space<vmem_shared>>) dst(%dma_wait3A_27 : memref<256x64xf32, #tpu.memory_space<vmem>>)
    %add3A_33 = arith.constant 0 : i32
    %add3A_34 = arith.addi %mul3A_2, %add3A_33 : i32
    %dma_start3A_35 = arith.constant 0 : i32
    %dma_start3A_36 = arith.constant 0 : i32
    %dma_start3A_37 = arith.constant 0 : i32
    %dma_start3A_38 = tpu.memref_slice %arg7[%dma_start3A_35, %dma_start3A_36, %dma_start3A_37] : memref<4x256x64xf32, #tpu.memory_space<vmem>> -> memref<1x256x64xf32, #tpu.memory_space<vmem>>
    %dma_start3A_39 = tpu.memref_squeeze %dma_start3A_38 : memref<1x256x64xf32, #tpu.memory_space<vmem>> -> memref<256x64xf32, #tpu.memory_space<vmem>>
    %dma_start3A_40 = arith.constant 0 : i32
    %dma_start3A_41 = tpu.memref_slice %arg4[%add3A_34, %dma_start3A_40] : memref<819200x128xf32, #tpu.memory_space<hbm>> -> memref<256x64xf32, #tpu.memory_space<hbm>>
    %dma_start3A_42 = arith.constant 0 : i32
    %dma_start3A_43 = tpu.memref_slice %arg4[%add3A_34, %dma_start3A_42] : memref<819200x128xf32, #tpu.memory_space<hbm>> -> memref<256x64xf32, #tpu.memory_space<hbm>>
    %dma_start3A_44 = arith.constant 0 : i32
    %dma_start3A_45 = arith.constant 0 : i32
    %dma_start3A_46 = tpu.memref_slice %arg7[%dma_start3A_35, %dma_start3A_44, %dma_start3A_45] : memref<4x256x64xf32, #tpu.memory_space<vmem>> -> memref<1x256x64xf32, #tpu.memory_space<vmem>>
    %dma_start3A_47 = tpu.memref_squeeze %dma_start3A_46 : memref<1x256x64xf32, #tpu.memory_space<vmem>> -> memref<256x64xf32, #tpu.memory_space<vmem>>
    tpu.enqueue_dma source(%dma_start3A_47 : memref<256x64xf32, #tpu.memory_space<vmem>>) target(%dma_start3A_43 : memref<256x64xf32, #tpu.memory_space<hbm>>) target_semaphore(%arg12 : memref<!tpu.dma_semaphore, #tpu.memory_space<semaphore_mem>>)
    %dma_start3A_48 = arith.constant 2 : i32
    %dma_start3A_49 = arith.constant 0 : i32
    %dma_start3A_50 = arith.constant 0 : i32
    %dma_start3A_51 = tpu.memref_slice %arg7[%dma_start3A_48, %dma_start3A_49, %dma_start3A_50] : memref<4x256x64xf32, #tpu.memory_space<vmem>> -> memref<1x256x64xf32, #tpu.memory_space<vmem>>
    %dma_start3A_52 = tpu.memref_squeeze %dma_start3A_51 : memref<1x256x64xf32, #tpu.memory_space<vmem>> -> memref<256x64xf32, #tpu.memory_space<vmem>>
    %dma_start3A_53 = arith.constant 512 : i32
    %dma_start3A_54 = tpu.memref_slice %arg5[%dma_start3A_53] : memref<25600xi32, #tpu.memory_space<vmem>> -> memref<256xi32, #tpu.memory_space<vmem>>
    %dma_start3A_55 = arith.constant 0 : i32
    %dma_start3A_56 = arith.constant 0 : i32
    %dma_start3A_57 = tpu.memref_slice %arg6[%dma_start3A_55, %dma_start3A_56] : memref<205x64xf32, #tpu.memory_space<vmem_shared>> -> memref<205x64xf32, #tpu.memory_space<vmem_shared>>
    tpu.enqueue_indirect_dma source(%dma_start3A_57 : memref<205x64xf32, #tpu.memory_space<vmem_shared>>) target(%dma_start3A_52 : memref<256x64xf32, #tpu.memory_space<vmem>>) offsets(%dma_start3A_54 : memref<256xi32, #tpu.memory_space<vmem>>) semaphore(%arg10 : memref<!tpu.dma_semaphore, #tpu.memory_space<semaphore_mem>>)
    %dma_wait3A_58 = arith.constant 1 : i32
    %dma_wait3A_59 = arith.constant 0 : i32
    %dma_wait3A_60 = arith.constant 0 : i32
    %dma_wait3A_61 = tpu.memref_slice %arg7[%dma_wait3A_58, %dma_wait3A_59, %dma_wait3A_60] : memref<4x256x64xf32, #tpu.memory_space<vmem>> -> memref<1x256x64xf32, #tpu.memory_space<vmem>>
    %dma_wait3A_62 = tpu.memref_squeeze %dma_wait3A_61 : memref<1x256x64xf32, #tpu.memory_space<vmem>> -> memref<256x64xf32, #tpu.memory_space<vmem>>
    %dma_wait3A_63 = arith.constant 0 : i32
    %dma_wait3A_64 = tpu.memref_slice %arg5[%dma_wait3A_63] : memref<25600xi32, #tpu.memory_space<vmem>> -> memref<256xi32, #tpu.memory_space<vmem>>
    %dma_wait3A_65 = arith.constant 0 : i32
    %dma_wait3A_66 = arith.constant 0 : i32
    %dma_wait3A_67 = tpu.memref_slice %arg6[%dma_wait3A_65, %dma_wait3A_66] : memref<205x64xf32, #tpu.memory_space<vmem_shared>> -> memref<205x64xf32, #tpu.memory_space<vmem_shared>>
    tpu.wait_indirect_dma semaphore(%arg9 : memref<!tpu.dma_semaphore, #tpu.memory_space<semaphore_mem>>) src(%dma_wait3A_67 : memref<205x64xf32, #tpu.memory_space<vmem_shared>>) dst(%dma_wait3A_62 : memref<256x64xf32, #tpu.memory_space<vmem>>)
    %add3A_68 = arith.constant 256 : i32
    %add3A_69 = arith.addi %mul3A_2, %add3A_68 : i32
    %dma_start3A_70 = arith.constant 1 : i32
    %dma_start3A_71 = arith.constant 0 : i32
    %dma_start3A_72 = arith.constant 0 : i32
    %dma_start3A_73 = tpu.memref_slice %arg7[%dma_start3A_70, %dma_start3A_71, %dma_start3A_72] : memref<4x256x64xf32, #tpu.memory_space<vmem>> -> memref<1x256x64xf32, #tpu.memory_space<vmem>>
    %dma_start3A_74 = tpu.memref_squeeze %dma_start3A_73 : memref<1x256x64xf32, #tpu.memory_space<vmem>> -> memref<256x64xf32, #tpu.memory_space<vmem>>
    %dma_start3A_75 = arith.constant 0 : i32
    %dma_start3A_76 = tpu.memref_slice %arg4[%add3A_69, %dma_start3A_75] : memref<819200x128xf32, #tpu.memory_space<hbm>> -> memref<256x64xf32, #tpu.memory_space<hbm>>
    %dma_start3A_77 = arith.constant 0 : i32
    %dma_start3A_78 = tpu.memref_slice %arg4[%add3A_69, %dma_start3A_77] : memref<819200x128xf32, #tpu.memory_space<hbm>> -> memref<256x64xf32, #tpu.memory_space<hbm>>
    %dma_start3A_79 = arith.constant 0 : i32
    %dma_start3A_80 = arith.constant 0 : i32
    %dma_start3A_81 = tpu.memref_slice %arg7[%dma_start3A_70, %dma_start3A_79, %dma_start3A_80] : memref<4x256x64xf32, #tpu.memory_space<vmem>> -> memref<1x256x64xf32, #tpu.memory_space<vmem>>
    %dma_start3A_82 = tpu.memref_squeeze %dma_start3A_81 : memref<1x256x64xf32, #tpu.memory_space<vmem>> -> memref<256x64xf32, #tpu.memory_space<vmem>>
    tpu.enqueue_dma source(%dma_start3A_82 : memref<256x64xf32, #tpu.memory_space<vmem>>) target(%dma_start3A_78 : memref<256x64xf32, #tpu.memory_space<hbm>>) target_semaphore(%arg13 : memref<!tpu.dma_semaphore, #tpu.memory_space<semaphore_mem>>)
    %dma_start3A_83 = arith.constant 3 : i32
    %dma_start3A_84 = arith.constant 0 : i32
    %dma_start3A_85 = arith.constant 0 : i32
    %dma_start3A_86 = tpu.memref_slice %arg7[%dma_start3A_83, %dma_start3A_84, %dma_start3A_85] : memref<4x256x64xf32, #tpu.memory_space<vmem>> -> memref<1x256x64xf32, #tpu.memory_space<vmem>>
    %dma_start3A_87 = tpu.memref_squeeze %dma_start3A_86 : memref<1x256x64xf32, #tpu.memory_space<vmem>> -> memref<256x64xf32, #tpu.memory_space<vmem>>
    %dma_start3A_88 = arith.constant 768 : i32
    %dma_start3A_89 = tpu.memref_slice %arg5[%dma_start3A_88] : memref<25600xi32, #tpu.memory_space<vmem>> -> memref<256xi32, #tpu.memory_space<vmem>>
    %dma_start3A_90 = arith.constant 0 : i32
    %dma_start3A_91 = arith.constant 0 : i32
    %dma_start3A_92 = tpu.memref_slice %arg6[%dma_start3A_90, %dma_start3A_91] : memref<205x64xf32, #tpu.memory_space<vmem_shared>> -> memref<205x64xf32, #tpu.memory_space<vmem_shared>>
    tpu.enqueue_indirect_dma source(%dma_start3A_92 : memref<205x64xf32, #tpu.memory_space<vmem_shared>>) target(%dma_start3A_87 : memref<256x64xf32, #tpu.memory_space<vmem>>) offsets(%dma_start3A_89 : memref<256xi32, #tpu.memory_space<vmem>>) semaphore(%arg11 : memref<!tpu.dma_semaphore, #tpu.memory_space<semaphore_mem>>)
    %scan3A = arith.constant 0 : i32
    %scan3A_93 = arith.constant 0 : i32
    %scan3A_94 = arith.constant 24 : i32
    %scan3A_95 = arith.addi %scan3A_93, %scan3A_94 : i32
    %scan3A_96 = arith.constant 1 : i32
    scf.for %scan3A_200 = %scan3A_93 to %scan3A_95 step %scan3A_96  : i32 {
      %mul3A_201 = arith.constant 4 : i32
      %mul3A_202 = arith.muli %mul3A_201, %scan3A_200 : i32
      %add3A_203 = arith.constant 2 : i32
      %add3A_204 = arith.addi %add3A_203, %mul3A_202 : i32
      %add3A_205 = arith.constant 0 : i32
      %add3A_206 = arith.addi %add3A_204, %add3A_205 : i32
      %dma_wait3A_207 = arith.constant 2 : i32
      %dma_wait3A_208 = arith.constant 0 : i32
      %dma_wait3A_209 = arith.constant 0 : i32
      %dma_wait3A_210 = tpu.memref_slice %arg7[%dma_wait3A_207, %dma_wait3A_208, %dma_wait3A_209] : memref<4x256x64xf32, #tpu.memory_space<vmem>> -> memref<1x256x64xf32, #tpu.memory_space<vmem>>
      %dma_wait3A_211 = tpu.memref_squeeze %dma_wait3A_210 : memref<1x256x64xf32, #tpu.memory_space<vmem>> -> memref<256x64xf32, #tpu.memory_space<vmem>>
      %dma_wait3A_212 = arith.constant 0 : i32
      %dma_wait3A_213 = tpu.memref_slice %arg5[%dma_wait3A_212] : memref<25600xi32, #tpu.memory_space<vmem>> -> memref<256xi32, #tpu.memory_space<vmem>>
      %dma_wait3A_214 = arith.constant 0 : i32
      %dma_wait3A_215 = arith.constant 0 : i32
      %dma_wait3A_216 = tpu.memref_slice %arg6[%dma_wait3A_214, %dma_wait3A_215] : memref<205x64xf32, #tpu.memory_space<vmem_shared>> -> memref<205x64xf32, #tpu.memory_space<vmem_shared>>
      tpu.wait_indirect_dma semaphore(%arg10 : memref<!tpu.dma_semaphore, #tpu.memory_space<semaphore_mem>>) src(%dma_wait3A_216 : memref<205x64xf32, #tpu.memory_space<vmem_shared>>) dst(%dma_wait3A_211 : memref<256x64xf32, #tpu.memory_space<vmem>>)
      %mul3A_217 = arith.constant 256 : i32
      %mul3A_218 = arith.muli %add3A_206, %mul3A_217 : i32
      %add3A_219 = arith.addi %mul3A_2, %mul3A_218 : i32
      %dma_start3A_220 = arith.constant 2 : i32
      %dma_start3A_221 = arith.constant 0 : i32
      %dma_start3A_222 = arith.constant 0 : i32
      %dma_start3A_223 = tpu.memref_slice %arg7[%dma_start3A_220, %dma_start3A_221, %dma_start3A_222] : memref<4x256x64xf32, #tpu.memory_space<vmem>> -> memref<1x256x64xf32, #tpu.memory_space<vmem>>
      %dma_start3A_224 = tpu.memref_squeeze %dma_start3A_223 : memref<1x256x64xf32, #tpu.memory_space<vmem>> -> memref<256x64xf32, #tpu.memory_space<vmem>>
      %dma_start3A_225 = arith.constant 0 : i32
      %dma_start3A_226 = tpu.memref_slice %arg4[%add3A_219, %dma_start3A_225] : memref<819200x128xf32, #tpu.memory_space<hbm>> -> memref<256x64xf32, #tpu.memory_space<hbm>>
      %dma_start3A_227 = arith.constant 0 : i32
      %dma_start3A_228 = tpu.memref_slice %arg4[%add3A_219, %dma_start3A_227] : memref<819200x128xf32, #tpu.memory_space<hbm>> -> memref<256x64xf32, #tpu.memory_space<hbm>>
      %dma_start3A_229 = arith.constant 0 : i32
      %dma_start3A_230 = arith.constant 0 : i32
      %dma_start3A_231 = tpu.memref_slice %arg7[%dma_start3A_220, %dma_start3A_229, %dma_start3A_230] : memref<4x256x64xf32, #tpu.memory_space<vmem>> -> memref<1x256x64xf32, #tpu.memory_space<vmem>>
      %dma_start3A_232 = tpu.memref_squeeze %dma_start3A_231 : memref<1x256x64xf32, #tpu.memory_space<vmem>> -> memref<256x64xf32, #tpu.memory_space<vmem>>
      tpu.enqueue_dma source(%dma_start3A_232 : memref<256x64xf32, #tpu.memory_space<vmem>>) target(%dma_start3A_228 : memref<256x64xf32, #tpu.memory_space<hbm>>) target_semaphore(%arg14 : memref<!tpu.dma_semaphore, #tpu.memory_space<semaphore_mem>>)
      %dma_wait3A_233 = arith.constant 0 : i32
      %dma_wait3A_234 = arith.constant 0 : i32
      %dma_wait3A_235 = arith.constant 0 : i32
      %dma_wait3A_236 = tpu.memref_slice %arg7[%dma_wait3A_233, %dma_wait3A_234, %dma_wait3A_235] : memref<4x256x64xf32, #tpu.memory_space<vmem>> -> memref<1x256x64xf32, #tpu.memory_space<vmem>>
      %dma_wait3A_237 = tpu.memref_squeeze %dma_wait3A_236 : memref<1x256x64xf32, #tpu.memory_space<vmem>> -> memref<256x64xf32, #tpu.memory_space<vmem>>
      %dma_wait3A_238 = arith.constant 0 : i32
      %dma_wait3A_239 = tpu.memref_slice %arg4[%mul3A_2, %dma_wait3A_238] : memref<819200x128xf32, #tpu.memory_space<hbm>> -> memref<256x64xf32, #tpu.memory_space<hbm>>
      %dma_wait3A_240 = arith.constant 0 : i32
      %dma_wait3A_241 = tpu.memref_slice %arg4[%mul3A_2, %dma_wait3A_240] : memref<819200x128xf32, #tpu.memory_space<hbm>> -> memref<256x64xf32, #tpu.memory_space<hbm>>
      %dma_wait3A_242 = arith.constant 0 : i32
      %dma_wait3A_243 = arith.constant 0 : i32
      %dma_wait3A_244 = tpu.memref_slice %arg7[%dma_wait3A_233, %dma_wait3A_242, %dma_wait3A_243] : memref<4x256x64xf32, #tpu.memory_space<vmem>> -> memref<1x256x64xf32, #tpu.memory_space<vmem>>
      %dma_wait3A_245 = tpu.memref_squeeze %dma_wait3A_244 : memref<1x256x64xf32, #tpu.memory_space<vmem>> -> memref<256x64xf32, #tpu.memory_space<vmem>>
      tpu.wait_dma2 semaphore(%arg12 : memref<!tpu.dma_semaphore, #tpu.memory_space<semaphore_mem>>) src(%dma_wait3A_245 : memref<256x64xf32, #tpu.memory_space<vmem>>) dst(%dma_wait3A_241 : memref<256x64xf32, #tpu.memory_space<hbm>>)
      %add3A_246 = arith.constant 2 : i32
      %add3A_247 = arith.addi %add3A_206, %add3A_246 : i32
      %mul3A_248 = arith.constant 256 : i32
      %mul3A_249 = arith.muli %add3A_247, %mul3A_248 : i32
      %dma_start3A_250 = arith.constant 0 : i32
      %dma_start3A_251 = arith.constant 0 : i32
      %dma_start3A_252 = arith.constant 0 : i32
      %dma_start3A_253 = tpu.memref_slice %arg7[%dma_start3A_250, %dma_start3A_251, %dma_start3A_252] : memref<4x256x64xf32, #tpu.memory_space<vmem>> -> memref<1x256x64xf32, #tpu.memory_space<vmem>>
      %dma_start3A_254 = tpu.memref_squeeze %dma_start3A_253 : memref<1x256x64xf32, #tpu.memory_space<vmem>> -> memref<256x64xf32, #tpu.memory_space<vmem>>
      %dma_start3A_255 = tpu.memref_slice %arg5[%mul3A_249] : memref<25600xi32, #tpu.memory_space<vmem>> -> memref<256xi32, #tpu.memory_space<vmem>>
      %dma_start3A_256 = arith.constant 0 : i32
      %dma_start3A_257 = arith.constant 0 : i32
      %dma_start3A_258 = tpu.memref_slice %arg6[%dma_start3A_256, %dma_start3A_257] : memref<205x64xf32, #tpu.memory_space<vmem_shared>> -> memref<205x64xf32, #tpu.memory_space<vmem_shared>>
      tpu.enqueue_indirect_dma source(%dma_start3A_258 : memref<205x64xf32, #tpu.memory_space<vmem_shared>>) target(%dma_start3A_254 : memref<256x64xf32, #tpu.memory_space<vmem>>) offsets(%dma_start3A_255 : memref<256xi32, #tpu.memory_space<vmem>>) semaphore(%arg8 : memref<!tpu.dma_semaphore, #tpu.memory_space<semaphore_mem>>)
      %add3A_259 = arith.constant 1 : i32
      %add3A_260 = arith.addi %add3A_204, %add3A_259 : i32
      %dma_wait3A_261 = arith.constant 3 : i32
      %dma_wait3A_262 = arith.constant 0 : i32
      %dma_wait3A_263 = arith.constant 0 : i32
      %dma_wait3A_264 = tpu.memref_slice %arg7[%dma_wait3A_261, %dma_wait3A_262, %dma_wait3A_263] : memref<4x256x64xf32, #tpu.memory_space<vmem>> -> memref<1x256x64xf32, #tpu.memory_space<vmem>>
      %dma_wait3A_265 = tpu.memref_squeeze %dma_wait3A_264 : memref<1x256x64xf32, #tpu.memory_space<vmem>> -> memref<256x64xf32, #tpu.memory_space<vmem>>
      %dma_wait3A_266 = arith.constant 0 : i32
      %dma_wait3A_267 = tpu.memref_slice %arg5[%dma_wait3A_266] : memref<25600xi32, #tpu.memory_space<vmem>> -> memref<256xi32, #tpu.memory_space<vmem>>
      %dma_wait3A_268 = arith.constant 0 : i32
      %dma_wait3A_269 = arith.constant 0 : i32
      %dma_wait3A_270 = tpu.memref_slice %arg6[%dma_wait3A_268, %dma_wait3A_269] : memref<205x64xf32, #tpu.memory_space<vmem_shared>> -> memref<205x64xf32, #tpu.memory_space<vmem_shared>>
      tpu.wait_indirect_dma semaphore(%arg11 : memref<!tpu.dma_semaphore, #tpu.memory_space<semaphore_mem>>) src(%dma_wait3A_270 : memref<205x64xf32, #tpu.memory_space<vmem_shared>>) dst(%dma_wait3A_265 : memref<256x64xf32, #tpu.memory_space<vmem>>)
      %mul3A_271 = arith.constant 256 : i32
      %mul3A_272 = arith.muli %add3A_260, %mul3A_271 : i32
      %add3A_273 = arith.addi %mul3A_2, %mul3A_272 : i32
      %dma_start3A_274 = arith.constant 3 : i32
      %dma_start3A_275 = arith.constant 0 : i32
      %dma_start3A_276 = arith.constant 0 : i32
      %dma_start3A_277 = tpu.memref_slice %arg7[%dma_start3A_274, %dma_start3A_275, %dma_start3A_276] : memref<4x256x64xf32, #tpu.memory_space<vmem>> -> memref<1x256x64xf32, #tpu.memory_space<vmem>>
      %dma_start3A_278 = tpu.memref_squeeze %dma_start3A_277 : memref<1x256x64xf32, #tpu.memory_space<vmem>> -> memref<256x64xf32, #tpu.memory_space<vmem>>
      %dma_start3A_279 = arith.constant 0 : i32
      %dma_start3A_280 = tpu.memref_slice %arg4[%add3A_273, %dma_start3A_279] : memref<819200x128xf32, #tpu.memory_space<hbm>> -> memref<256x64xf32, #tpu.memory_space<hbm>>
      %dma_start3A_281 = arith.constant 0 : i32
      %dma_start3A_282 = tpu.memref_slice %arg4[%add3A_273, %dma_start3A_281] : memref<819200x128xf32, #tpu.memory_space<hbm>> -> memref<256x64xf32, #tpu.memory_space<hbm>>
      %dma_start3A_283 = arith.constant 0 : i32
      %dma_start3A_284 = arith.constant 0 : i32
      %dma_start3A_285 = tpu.memref_slice %arg7[%dma_start3A_274, %dma_start3A_283, %dma_start3A_284] : memref<4x256x64xf32, #tpu.memory_space<vmem>> -> memref<1x256x64xf32, #tpu.memory_space<vmem>>
      %dma_start3A_286 = tpu.memref_squeeze %dma_start3A_285 : memref<1x256x64xf32, #tpu.memory_space<vmem>> -> memref<256x64xf32, #tpu.memory_space<vmem>>
      tpu.enqueue_dma source(%dma_start3A_286 : memref<256x64xf32, #tpu.memory_space<vmem>>) target(%dma_start3A_282 : memref<256x64xf32, #tpu.memory_space<hbm>>) target_semaphore(%arg15 : memref<!tpu.dma_semaphore, #tpu.memory_space<semaphore_mem>>)
      %dma_wait3A_287 = arith.constant 1 : i32
      %dma_wait3A_288 = arith.constant 0 : i32
      %dma_wait3A_289 = arith.constant 0 : i32
      %dma_wait3A_290 = tpu.memref_slice %arg7[%dma_wait3A_287, %dma_wait3A_288, %dma_wait3A_289] : memref<4x256x64xf32, #tpu.memory_space<vmem>> -> memref<1x256x64xf32, #tpu.memory_space<vmem>>
      %dma_wait3A_291 = tpu.memref_squeeze %dma_wait3A_290 : memref<1x256x64xf32, #tpu.memory_space<vmem>> -> memref<256x64xf32, #tpu.memory_space<vmem>>
      %dma_wait3A_292 = arith.constant 0 : i32
      %dma_wait3A_293 = tpu.memref_slice %arg4[%mul3A_2, %dma_wait3A_292] : memref<819200x128xf32, #tpu.memory_space<hbm>> -> memref<256x64xf32, #tpu.memory_space<hbm>>
      %dma_wait3A_294 = arith.constant 0 : i32
      %dma_wait3A_295 = tpu.memref_slice %arg4[%mul3A_2, %dma_wait3A_294] : memref<819200x128xf32, #tpu.memory_space<hbm>> -> memref<256x64xf32, #tpu.memory_space<hbm>>
      %dma_wait3A_296 = arith.constant 0 : i32
      %dma_wait3A_297 = arith.constant 0 : i32
      %dma_wait3A_298 = tpu.memref_slice %arg7[%dma_wait3A_287, %dma_wait3A_296, %dma_wait3A_297] : memref<4x256x64xf32, #tpu.memory_space<vmem>> -> memref<1x256x64xf32, #tpu.memory_space<vmem>>
      %dma_wait3A_299 = tpu.memref_squeeze %dma_wait3A_298 : memref<1x256x64xf32, #tpu.memory_space<vmem>> -> memref<256x64xf32, #tpu.memory_space<vmem>>
      tpu.wait_dma2 semaphore(%arg13 : memref<!tpu.dma_semaphore, #tpu.memory_space<semaphore_mem>>) src(%dma_wait3A_299 : memref<256x64xf32, #tpu.memory_space<vmem>>) dst(%dma_wait3A_295 : memref<256x64xf32, #tpu.memory_space<hbm>>)
      %add3A_300 = arith.constant 2 : i32
      %add3A_301 = arith.addi %add3A_260, %add3A_300 : i32
      %mul3A_302 = arith.constant 256 : i32
      %mul3A_303 = arith.muli %add3A_301, %mul3A_302 : i32
      %dma_start3A_304 = arith.constant 1 : i32
      %dma_start3A_305 = arith.constant 0 : i32
      %dma_start3A_306 = arith.constant 0 : i32
      %dma_start3A_307 = tpu.memref_slice %arg7[%dma_start3A_304, %dma_start3A_305, %dma_start3A_306] : memref<4x256x64xf32, #tpu.memory_space<vmem>> -> memref<1x256x64xf32, #tpu.memory_space<vmem>>
      %dma_start3A_308 = tpu.memref_squeeze %dma_start3A_307 : memref<1x256x64xf32, #tpu.memory_space<vmem>> -> memref<256x64xf32, #tpu.memory_space<vmem>>
      %dma_start3A_309 = tpu.memref_slice %arg5[%mul3A_303] : memref<25600xi32, #tpu.memory_space<vmem>> -> memref<256xi32, #tpu.memory_space<vmem>>
      %dma_start3A_310 = arith.constant 0 : i32
      %dma_start3A_311 = arith.constant 0 : i32
      %dma_start3A_312 = tpu.memref_slice %arg6[%dma_start3A_310, %dma_start3A_311] : memref<205x64xf32, #tpu.memory_space<vmem_shared>> -> memref<205x64xf32, #tpu.memory_space<vmem_shared>>
      tpu.enqueue_indirect_dma source(%dma_start3A_312 : memref<205x64xf32, #tpu.memory_space<vmem_shared>>) target(%dma_start3A_308 : memref<256x64xf32, #tpu.memory_space<vmem>>) offsets(%dma_start3A_309 : memref<256xi32, #tpu.memory_space<vmem>>) semaphore(%arg9 : memref<!tpu.dma_semaphore, #tpu.memory_space<semaphore_mem>>)
      %add3A_313 = arith.constant 2 : i32
      %add3A_314 = arith.addi %add3A_204, %add3A_313 : i32
      %dma_wait3A_315 = arith.constant 0 : i32
      %dma_wait3A_316 = arith.constant 0 : i32
      %dma_wait3A_317 = arith.constant 0 : i32
      %dma_wait3A_318 = tpu.memref_slice %arg7[%dma_wait3A_315, %dma_wait3A_316, %dma_wait3A_317] : memref<4x256x64xf32, #tpu.memory_space<vmem>> -> memref<1x256x64xf32, #tpu.memory_space<vmem>>
      %dma_wait3A_319 = tpu.memref_squeeze %dma_wait3A_318 : memref<1x256x64xf32, #tpu.memory_space<vmem>> -> memref<256x64xf32, #tpu.memory_space<vmem>>
      %dma_wait3A_320 = arith.constant 0 : i32
      %dma_wait3A_321 = tpu.memref_slice %arg5[%dma_wait3A_320] : memref<25600xi32, #tpu.memory_space<vmem>> -> memref<256xi32, #tpu.memory_space<vmem>>
      %dma_wait3A_322 = arith.constant 0 : i32
      %dma_wait3A_323 = arith.constant 0 : i32
      %dma_wait3A_324 = tpu.memref_slice %arg6[%dma_wait3A_322, %dma_wait3A_323] : memref<205x64xf32, #tpu.memory_space<vmem_shared>> -> memref<205x64xf32, #tpu.memory_space<vmem_shared>>
      tpu.wait_indirect_dma semaphore(%arg8 : memref<!tpu.dma_semaphore, #tpu.memory_space<semaphore_mem>>) src(%dma_wait3A_324 : memref<205x64xf32, #tpu.memory_space<vmem_shared>>) dst(%dma_wait3A_319 : memref<256x64xf32, #tpu.memory_space<vmem>>)
      %mul3A_325 = arith.constant 256 : i32
      %mul3A_326 = arith.muli %add3A_314, %mul3A_325 : i32
      %add3A_327 = arith.addi %mul3A_2, %mul3A_326 : i32
      %dma_start3A_328 = arith.constant 0 : i32
      %dma_start3A_329 = arith.constant 0 : i32
      %dma_start3A_330 = arith.constant 0 : i32
      %dma_start3A_331 = tpu.memref_slice %arg7[%dma_start3A_328, %dma_start3A_329, %dma_start3A_330] : memref<4x256x64xf32, #tpu.memory_space<vmem>> -> memref<1x256x64xf32, #tpu.memory_space<vmem>>
      %dma_start3A_332 = tpu.memref_squeeze %dma_start3A_331 : memref<1x256x64xf32, #tpu.memory_space<vmem>> -> memref<256x64xf32, #tpu.memory_space<vmem>>
      %dma_start3A_333 = arith.constant 0 : i32
      %dma_start3A_334 = tpu.memref_slice %arg4[%add3A_327, %dma_start3A_333] : memref<819200x128xf32, #tpu.memory_space<hbm>> -> memref<256x64xf32, #tpu.memory_space<hbm>>
      %dma_start3A_335 = arith.constant 0 : i32
      %dma_start3A_336 = tpu.memref_slice %arg4[%add3A_327, %dma_start3A_335] : memref<819200x128xf32, #tpu.memory_space<hbm>> -> memref<256x64xf32, #tpu.memory_space<hbm>>
      %dma_start3A_337 = arith.constant 0 : i32
      %dma_start3A_338 = arith.constant 0 : i32
      %dma_start3A_339 = tpu.memref_slice %arg7[%dma_start3A_328, %dma_start3A_337, %dma_start3A_338] : memref<4x256x64xf32, #tpu.memory_space<vmem>> -> memref<1x256x64xf32, #tpu.memory_space<vmem>>
      %dma_start3A_340 = tpu.memref_squeeze %dma_start3A_339 : memref<1x256x64xf32, #tpu.memory_space<vmem>> -> memref<256x64xf32, #tpu.memory_space<vmem>>
      tpu.enqueue_dma source(%dma_start3A_340 : memref<256x64xf32, #tpu.memory_space<vmem>>) target(%dma_start3A_336 : memref<256x64xf32, #tpu.memory_space<hbm>>) target_semaphore(%arg12 : memref<!tpu.dma_semaphore, #tpu.memory_space<semaphore_mem>>)
      %dma_wait3A_341 = arith.constant 2 : i32
      %dma_wait3A_342 = arith.constant 0 : i32
      %dma_wait3A_343 = arith.constant 0 : i32
      %dma_wait3A_344 = tpu.memref_slice %arg7[%dma_wait3A_341, %dma_wait3A_342, %dma_wait3A_343] : memref<4x256x64xf32, #tpu.memory_space<vmem>> -> memref<1x256x64xf32, #tpu.memory_space<vmem>>
      %dma_wait3A_345 = tpu.memref_squeeze %dma_wait3A_344 : memref<1x256x64xf32, #tpu.memory_space<vmem>> -> memref<256x64xf32, #tpu.memory_space<vmem>>
      %dma_wait3A_346 = arith.constant 0 : i32
      %dma_wait3A_347 = tpu.memref_slice %arg4[%mul3A_2, %dma_wait3A_346] : memref<819200x128xf32, #tpu.memory_space<hbm>> -> memref<256x64xf32, #tpu.memory_space<hbm>>
      %dma_wait3A_348 = arith.constant 0 : i32
      %dma_wait3A_349 = tpu.memref_slice %arg4[%mul3A_2, %dma_wait3A_348] : memref<819200x128xf32, #tpu.memory_space<hbm>> -> memref<256x64xf32, #tpu.memory_space<hbm>>
      %dma_wait3A_350 = arith.constant 0 : i32
      %dma_wait3A_351 = arith.constant 0 : i32
      %dma_wait3A_352 = tpu.memref_slice %arg7[%dma_wait3A_341, %dma_wait3A_350, %dma_wait3A_351] : memref<4x256x64xf32, #tpu.memory_space<vmem>> -> memref<1x256x64xf32, #tpu.memory_space<vmem>>
      %dma_wait3A_353 = tpu.memref_squeeze %dma_wait3A_352 : memref<1x256x64xf32, #tpu.memory_space<vmem>> -> memref<256x64xf32, #tpu.memory_space<vmem>>
      tpu.wait_dma2 semaphore(%arg14 : memref<!tpu.dma_semaphore, #tpu.memory_space<semaphore_mem>>) src(%dma_wait3A_353 : memref<256x64xf32, #tpu.memory_space<vmem>>) dst(%dma_wait3A_349 : memref<256x64xf32, #tpu.memory_space<hbm>>)
      %add3A_354 = arith.constant 2 : i32
      %add3A_355 = arith.addi %add3A_314, %add3A_354 : i32
      %mul3A_356 = arith.constant 256 : i32
      %mul3A_357 = arith.muli %add3A_355, %mul3A_356 : i32
      %dma_start3A_358 = arith.constant 2 : i32
      %dma_start3A_359 = arith.constant 0 : i32
      %dma_start3A_360 = arith.constant 0 : i32
      %dma_start3A_361 = tpu.memref_slice %arg7[%dma_start3A_358, %dma_start3A_359, %dma_start3A_360] : memref<4x256x64xf32, #tpu.memory_space<vmem>> -> memref<1x256x64xf32, #tpu.memory_space<vmem>>
      %dma_start3A_362 = tpu.memref_squeeze %dma_start3A_361 : memref<1x256x64xf32, #tpu.memory_space<vmem>> -> memref<256x64xf32, #tpu.memory_space<vmem>>
      %dma_start3A_363 = tpu.memref_slice %arg5[%mul3A_357] : memref<25600xi32, #tpu.memory_space<vmem>> -> memref<256xi32, #tpu.memory_space<vmem>>
      %dma_start3A_364 = arith.constant 0 : i32
      %dma_start3A_365 = arith.constant 0 : i32
      %dma_start3A_366 = tpu.memref_slice %arg6[%dma_start3A_364, %dma_start3A_365] : memref<205x64xf32, #tpu.memory_space<vmem_shared>> -> memref<205x64xf32, #tpu.memory_space<vmem_shared>>
      tpu.enqueue_indirect_dma source(%dma_start3A_366 : memref<205x64xf32, #tpu.memory_space<vmem_shared>>) target(%dma_start3A_362 : memref<256x64xf32, #tpu.memory_space<vmem>>) offsets(%dma_start3A_363 : memref<256xi32, #tpu.memory_space<vmem>>) semaphore(%arg10 : memref<!tpu.dma_semaphore, #tpu.memory_space<semaphore_mem>>)
      %add3A_367 = arith.constant 3 : i32
      %add3A_368 = arith.addi %add3A_204, %add3A_367 : i32
      %dma_wait3A_369 = arith.constant 1 : i32
      %dma_wait3A_370 = arith.constant 0 : i32
      %dma_wait3A_371 = arith.constant 0 : i32
      %dma_wait3A_372 = tpu.memref_slice %arg7[%dma_wait3A_369, %dma_wait3A_370, %dma_wait3A_371] : memref<4x256x64xf32, #tpu.memory_space<vmem>> -> memref<1x256x64xf32, #tpu.memory_space<vmem>>
      %dma_wait3A_373 = tpu.memref_squeeze %dma_wait3A_372 : memref<1x256x64xf32, #tpu.memory_space<vmem>> -> memref<256x64xf32, #tpu.memory_space<vmem>>
      %dma_wait3A_374 = arith.constant 0 : i32
      %dma_wait3A_375 = tpu.memref_slice %arg5[%dma_wait3A_374] : memref<25600xi32, #tpu.memory_space<vmem>> -> memref<256xi32, #tpu.memory_space<vmem>>
      %dma_wait3A_376 = arith.constant 0 : i32
      %dma_wait3A_377 = arith.constant 0 : i32
      %dma_wait3A_378 = tpu.memref_slice %arg6[%dma_wait3A_376, %dma_wait3A_377] : memref<205x64xf32, #tpu.memory_space<vmem_shared>> -> memref<205x64xf32, #tpu.memory_space<vmem_shared>>
      tpu.wait_indirect_dma semaphore(%arg9 : memref<!tpu.dma_semaphore, #tpu.memory_space<semaphore_mem>>) src(%dma_wait3A_378 : memref<205x64xf32, #tpu.memory_space<vmem_shared>>) dst(%dma_wait3A_373 : memref<256x64xf32, #tpu.memory_space<vmem>>)
      %mul3A_379 = arith.constant 256 : i32
      %mul3A_380 = arith.muli %add3A_368, %mul3A_379 : i32
      %add3A_381 = arith.addi %mul3A_2, %mul3A_380 : i32
      %dma_start3A_382 = arith.constant 1 : i32
      %dma_start3A_383 = arith.constant 0 : i32
      %dma_start3A_384 = arith.constant 0 : i32
      %dma_start3A_385 = tpu.memref_slice %arg7[%dma_start3A_382, %dma_start3A_383, %dma_start3A_384] : memref<4x256x64xf32, #tpu.memory_space<vmem>> -> memref<1x256x64xf32, #tpu.memory_space<vmem>>
      %dma_start3A_386 = tpu.memref_squeeze %dma_start3A_385 : memref<1x256x64xf32, #tpu.memory_space<vmem>> -> memref<256x64xf32, #tpu.memory_space<vmem>>
      %dma_start3A_387 = arith.constant 0 : i32
      %dma_start3A_388 = tpu.memref_slice %arg4[%add3A_381, %dma_start3A_387] : memref<819200x128xf32, #tpu.memory_space<hbm>> -> memref<256x64xf32, #tpu.memory_space<hbm>>
      %dma_start3A_389 = arith.constant 0 : i32
      %dma_start3A_390 = tpu.memref_slice %arg4[%add3A_381, %dma_start3A_389] : memref<819200x128xf32, #tpu.memory_space<hbm>> -> memref<256x64xf32, #tpu.memory_space<hbm>>
      %dma_start3A_391 = arith.constant 0 : i32
      %dma_start3A_392 = arith.constant 0 : i32
      %dma_start3A_393 = tpu.memref_slice %arg7[%dma_start3A_382, %dma_start3A_391, %dma_start3A_392] : memref<4x256x64xf32, #tpu.memory_space<vmem>> -> memref<1x256x64xf32, #tpu.memory_space<vmem>>
      %dma_start3A_394 = tpu.memref_squeeze %dma_start3A_393 : memref<1x256x64xf32, #tpu.memory_space<vmem>> -> memref<256x64xf32, #tpu.memory_space<vmem>>
      tpu.enqueue_dma source(%dma_start3A_394 : memref<256x64xf32, #tpu.memory_space<vmem>>) target(%dma_start3A_390 : memref<256x64xf32, #tpu.memory_space<hbm>>) target_semaphore(%arg13 : memref<!tpu.dma_semaphore, #tpu.memory_space<semaphore_mem>>)
      %dma_wait3A_395 = arith.constant 3 : i32
      %dma_wait3A_396 = arith.constant 0 : i32
      %dma_wait3A_397 = arith.constant 0 : i32
      %dma_wait3A_398 = tpu.memref_slice %arg7[%dma_wait3A_395, %dma_wait3A_396, %dma_wait3A_397] : memref<4x256x64xf32, #tpu.memory_space<vmem>> -> memref<1x256x64xf32, #tpu.memory_space<vmem>>
      %dma_wait3A_399 = tpu.memref_squeeze %dma_wait3A_398 : memref<1x256x64xf32, #tpu.memory_space<vmem>> -> memref<256x64xf32, #tpu.memory_space<vmem>>
      %dma_wait3A_400 = arith.constant 0 : i32
      %dma_wait3A_401 = tpu.memref_slice %arg4[%mul3A_2, %dma_wait3A_400] : memref<819200x128xf32, #tpu.memory_space<hbm>> -> memref<256x64xf32, #tpu.memory_space<hbm>>
      %dma_wait3A_402 = arith.constant 0 : i32
      %dma_wait3A_403 = tpu.memref_slice %arg4[%mul3A_2, %dma_wait3A_402] : memref<819200x128xf32, #tpu.memory_space<hbm>> -> memref<256x64xf32, #tpu.memory_space<hbm>>
      %dma_wait3A_404 = arith.constant 0 : i32
      %dma_wait3A_405 = arith.constant 0 : i32
      %dma_wait3A_406 = tpu.memref_slice %arg7[%dma_wait3A_395, %dma_wait3A_404, %dma_wait3A_405] : memref<4x256x64xf32, #tpu.memory_space<vmem>> -> memref<1x256x64xf32, #tpu.memory_space<vmem>>
      %dma_wait3A_407 = tpu.memref_squeeze %dma_wait3A_406 : memref<1x256x64xf32, #tpu.memory_space<vmem>> -> memref<256x64xf32, #tpu.memory_space<vmem>>
      tpu.wait_dma2 semaphore(%arg15 : memref<!tpu.dma_semaphore, #tpu.memory_space<semaphore_mem>>) src(%dma_wait3A_407 : memref<256x64xf32, #tpu.memory_space<vmem>>) dst(%dma_wait3A_403 : memref<256x64xf32, #tpu.memory_space<hbm>>)
      %add3A_408 = arith.constant 2 : i32
      %add3A_409 = arith.addi %add3A_368, %add3A_408 : i32
      %mul3A_410 = arith.constant 256 : i32
      %mul3A_411 = arith.muli %add3A_409, %mul3A_410 : i32
      %dma_start3A_412 = arith.constant 3 : i32
      %dma_start3A_413 = arith.constant 0 : i32
      %dma_start3A_414 = arith.constant 0 : i32
      %dma_start3A_415 = tpu.memref_slice %arg7[%dma_start3A_412, %dma_start3A_413, %dma_start3A_414] : memref<4x256x64xf32, #tpu.memory_space<vmem>> -> memref<1x256x64xf32, #tpu.memory_space<vmem>>
      %dma_start3A_416 = tpu.memref_squeeze %dma_start3A_415 : memref<1x256x64xf32, #tpu.memory_space<vmem>> -> memref<256x64xf32, #tpu.memory_space<vmem>>
      %dma_start3A_417 = tpu.memref_slice %arg5[%mul3A_411] : memref<25600xi32, #tpu.memory_space<vmem>> -> memref<256xi32, #tpu.memory_space<vmem>>
      %dma_start3A_418 = arith.constant 0 : i32
      %dma_start3A_419 = arith.constant 0 : i32
      %dma_start3A_420 = tpu.memref_slice %arg6[%dma_start3A_418, %dma_start3A_419] : memref<205x64xf32, #tpu.memory_space<vmem_shared>> -> memref<205x64xf32, #tpu.memory_space<vmem_shared>>
      tpu.enqueue_indirect_dma source(%dma_start3A_420 : memref<205x64xf32, #tpu.memory_space<vmem_shared>>) target(%dma_start3A_416 : memref<256x64xf32, #tpu.memory_space<vmem>>) offsets(%dma_start3A_417 : memref<256xi32, #tpu.memory_space<vmem>>) semaphore(%arg11 : memref<!tpu.dma_semaphore, #tpu.memory_space<semaphore_mem>>)
    }
    %scan3A_97 = arith.constant 24 : i32
    %dma_wait3A_98 = arith.constant 2 : i32
    %dma_wait3A_99 = arith.constant 0 : i32
    %dma_wait3A_100 = arith.constant 0 : i32
    %dma_wait3A_101 = tpu.memref_slice %arg7[%dma_wait3A_98, %dma_wait3A_99, %dma_wait3A_100] : memref<4x256x64xf32, #tpu.memory_space<vmem>> -> memref<1x256x64xf32, #tpu.memory_space<vmem>>
    %dma_wait3A_102 = tpu.memref_squeeze %dma_wait3A_101 : memref<1x256x64xf32, #tpu.memory_space<vmem>> -> memref<256x64xf32, #tpu.memory_space<vmem>>
    %dma_wait3A_103 = arith.constant 0 : i32
    %dma_wait3A_104 = tpu.memref_slice %arg5[%dma_wait3A_103] : memref<25600xi32, #tpu.memory_space<vmem>> -> memref<256xi32, #tpu.memory_space<vmem>>
    %dma_wait3A_105 = arith.constant 0 : i32
    %dma_wait3A_106 = arith.constant 0 : i32
    %dma_wait3A_107 = tpu.memref_slice %arg6[%dma_wait3A_105, %dma_wait3A_106] : memref<205x64xf32, #tpu.memory_space<vmem_shared>> -> memref<205x64xf32, #tpu.memory_space<vmem_shared>>
    tpu.wait_indirect_dma semaphore(%arg10 : memref<!tpu.dma_semaphore, #tpu.memory_space<semaphore_mem>>) src(%dma_wait3A_107 : memref<205x64xf32, #tpu.memory_space<vmem_shared>>) dst(%dma_wait3A_102 : memref<256x64xf32, #tpu.memory_space<vmem>>)
    %add3A_108 = arith.constant 25088 : i32
    %add3A_109 = arith.addi %mul3A_2, %add3A_108 : i32
    %dma_start3A_110 = arith.constant 2 : i32
    %dma_start3A_111 = arith.constant 0 : i32
    %dma_start3A_112 = arith.constant 0 : i32
    %dma_start3A_113 = tpu.memref_slice %arg7[%dma_start3A_110, %dma_start3A_111, %dma_start3A_112] : memref<4x256x64xf32, #tpu.memory_space<vmem>> -> memref<1x256x64xf32, #tpu.memory_space<vmem>>
    %dma_start3A_114 = tpu.memref_squeeze %dma_start3A_113 : memref<1x256x64xf32, #tpu.memory_space<vmem>> -> memref<256x64xf32, #tpu.memory_space<vmem>>
    %dma_start3A_115 = arith.constant 0 : i32
    %dma_start3A_116 = tpu.memref_slice %arg4[%add3A_109, %dma_start3A_115] : memref<819200x128xf32, #tpu.memory_space<hbm>> -> memref<256x64xf32, #tpu.memory_space<hbm>>
    %dma_start3A_117 = arith.constant 0 : i32
    %dma_start3A_118 = tpu.memref_slice %arg4[%add3A_109, %dma_start3A_117] : memref<819200x128xf32, #tpu.memory_space<hbm>> -> memref<256x64xf32, #tpu.memory_space<hbm>>
    %dma_start3A_119 = arith.constant 0 : i32
    %dma_start3A_120 = arith.constant 0 : i32
    %dma_start3A_121 = tpu.memref_slice %arg7[%dma_start3A_110, %dma_start3A_119, %dma_start3A_120] : memref<4x256x64xf32, #tpu.memory_space<vmem>> -> memref<1x256x64xf32, #tpu.memory_space<vmem>>
    %dma_start3A_122 = tpu.memref_squeeze %dma_start3A_121 : memref<1x256x64xf32, #tpu.memory_space<vmem>> -> memref<256x64xf32, #tpu.memory_space<vmem>>
    tpu.enqueue_dma source(%dma_start3A_122 : memref<256x64xf32, #tpu.memory_space<vmem>>) target(%dma_start3A_118 : memref<256x64xf32, #tpu.memory_space<hbm>>) target_semaphore(%arg14 : memref<!tpu.dma_semaphore, #tpu.memory_space<semaphore_mem>>)
    %dma_wait3A_123 = arith.constant 3 : i32
    %dma_wait3A_124 = arith.constant 0 : i32
    %dma_wait3A_125 = arith.constant 0 : i32
    %dma_wait3A_126 = tpu.memref_slice %arg7[%dma_wait3A_123, %dma_wait3A_124, %dma_wait3A_125] : memref<4x256x64xf32, #tpu.memory_space<vmem>> -> memref<1x256x64xf32, #tpu.memory_space<vmem>>
    %dma_wait3A_127 = tpu.memref_squeeze %dma_wait3A_126 : memref<1x256x64xf32, #tpu.memory_space<vmem>> -> memref<256x64xf32, #tpu.memory_space<vmem>>
    %dma_wait3A_128 = arith.constant 0 : i32
    %dma_wait3A_129 = tpu.memref_slice %arg5[%dma_wait3A_128] : memref<25600xi32, #tpu.memory_space<vmem>> -> memref<256xi32, #tpu.memory_space<vmem>>
    %dma_wait3A_130 = arith.constant 0 : i32
    %dma_wait3A_131 = arith.constant 0 : i32
    %dma_wait3A_132 = tpu.memref_slice %arg6[%dma_wait3A_130, %dma_wait3A_131] : memref<205x64xf32, #tpu.memory_space<vmem_shared>> -> memref<205x64xf32, #tpu.memory_space<vmem_shared>>
    tpu.wait_indirect_dma semaphore(%arg11 : memref<!tpu.dma_semaphore, #tpu.memory_space<semaphore_mem>>) src(%dma_wait3A_132 : memref<205x64xf32, #tpu.memory_space<vmem_shared>>) dst(%dma_wait3A_127 : memref<256x64xf32, #tpu.memory_space<vmem>>)
    %add3A_133 = arith.constant 25344 : i32
    %add3A_134 = arith.addi %mul3A_2, %add3A_133 : i32
    %dma_start3A_135 = arith.constant 3 : i32
    %dma_start3A_136 = arith.constant 0 : i32
    %dma_start3A_137 = arith.constant 0 : i32
    %dma_start3A_138 = tpu.memref_slice %arg7[%dma_start3A_135, %dma_start3A_136, %dma_start3A_137] : memref<4x256x64xf32, #tpu.memory_space<vmem>> -> memref<1x256x64xf32, #tpu.memory_space<vmem>>
    %dma_start3A_139 = tpu.memref_squeeze %dma_start3A_138 : memref<1x256x64xf32, #tpu.memory_space<vmem>> -> memref<256x64xf32, #tpu.memory_space<vmem>>
    %dma_start3A_140 = arith.constant 0 : i32
    %dma_start3A_141 = tpu.memref_slice %arg4[%add3A_134, %dma_start3A_140] : memref<819200x128xf32, #tpu.memory_space<hbm>> -> memref<256x64xf32, #tpu.memory_space<hbm>>
    %dma_start3A_142 = arith.constant 0 : i32
    %dma_start3A_143 = tpu.memref_slice %arg4[%add3A_134, %dma_start3A_142] : memref<819200x128xf32, #tpu.memory_space<hbm>> -> memref<256x64xf32, #tpu.memory_space<hbm>>
    %dma_start3A_144 = arith.constant 0 : i32
    %dma_start3A_145 = arith.constant 0 : i32
    %dma_start3A_146 = tpu.memref_slice %arg7[%dma_start3A_135, %dma_start3A_144, %dma_start3A_145] : memref<4x256x64xf32, #tpu.memory_space<vmem>> -> memref<1x256x64xf32, #tpu.memory_space<vmem>>
    %dma_start3A_147 = tpu.memref_squeeze %dma_start3A_146 : memref<1x256x64xf32, #tpu.memory_space<vmem>> -> memref<256x64xf32, #tpu.memory_space<vmem>>
    tpu.enqueue_dma source(%dma_start3A_147 : memref<256x64xf32, #tpu.memory_space<vmem>>) target(%dma_start3A_143 : memref<256x64xf32, #tpu.memory_space<hbm>>) target_semaphore(%arg15 : memref<!tpu.dma_semaphore, #tpu.memory_space<semaphore_mem>>)
    %dma_wait3A_148 = arith.constant 0 : i32
    %dma_wait3A_149 = arith.constant 0 : i32
    %dma_wait3A_150 = arith.constant 0 : i32
    %dma_wait3A_151 = tpu.memref_slice %arg7[%dma_wait3A_148, %dma_wait3A_149, %dma_wait3A_150] : memref<4x256x64xf32, #tpu.memory_space<vmem>> -> memref<1x256x64xf32, #tpu.memory_space<vmem>>
    %dma_wait3A_152 = tpu.memref_squeeze %dma_wait3A_151 : memref<1x256x64xf32, #tpu.memory_space<vmem>> -> memref<256x64xf32, #tpu.memory_space<vmem>>
    %dma_wait3A_153 = arith.constant 0 : i32
    %dma_wait3A_154 = tpu.memref_slice %arg4[%mul3A_2, %dma_wait3A_153] : memref<819200x128xf32, #tpu.memory_space<hbm>> -> memref<256x64xf32, #tpu.memory_space<hbm>>
    %dma_wait3A_155 = arith.constant 0 : i32
    %dma_wait3A_156 = tpu.memref_slice %arg4[%mul3A_2, %dma_wait3A_155] : memref<819200x128xf32, #tpu.memory_space<hbm>> -> memref<256x64xf32, #tpu.memory_space<hbm>>
    %dma_wait3A_157 = arith.constant 0 : i32
    %dma_wait3A_158 = arith.constant 0 : i32
    %dma_wait3A_159 = tpu.memref_slice %arg7[%dma_wait3A_148, %dma_wait3A_157, %dma_wait3A_158] : memref<4x256x64xf32, #tpu.memory_space<vmem>> -> memref<1x256x64xf32, #tpu.memory_space<vmem>>
    %dma_wait3A_160 = tpu.memref_squeeze %dma_wait3A_159 : memref<1x256x64xf32, #tpu.memory_space<vmem>> -> memref<256x64xf32, #tpu.memory_space<vmem>>
    tpu.wait_dma2 semaphore(%arg12 : memref<!tpu.dma_semaphore, #tpu.memory_space<semaphore_mem>>) src(%dma_wait3A_160 : memref<256x64xf32, #tpu.memory_space<vmem>>) dst(%dma_wait3A_156 : memref<256x64xf32, #tpu.memory_space<hbm>>)
    %dma_wait3A_161 = arith.constant 1 : i32
    %dma_wait3A_162 = arith.constant 0 : i32
    %dma_wait3A_163 = arith.constant 0 : i32
    %dma_wait3A_164 = tpu.memref_slice %arg7[%dma_wait3A_161, %dma_wait3A_162, %dma_wait3A_163] : memref<4x256x64xf32, #tpu.memory_space<vmem>> -> memref<1x256x64xf32, #tpu.memory_space<vmem>>
    %dma_wait3A_165 = tpu.memref_squeeze %dma_wait3A_164 : memref<1x256x64xf32, #tpu.memory_space<vmem>> -> memref<256x64xf32, #tpu.memory_space<vmem>>
    %dma_wait3A_166 = arith.constant 0 : i32
    %dma_wait3A_167 = tpu.memref_slice %arg4[%mul3A_2, %dma_wait3A_166] : memref<819200x128xf32, #tpu.memory_space<hbm>> -> memref<256x64xf32, #tpu.memory_space<hbm>>
    %dma_wait3A_168 = arith.constant 0 : i32
    %dma_wait3A_169 = tpu.memref_slice %arg4[%mul3A_2, %dma_wait3A_168] : memref<819200x128xf32, #tpu.memory_space<hbm>> -> memref<256x64xf32, #tpu.memory_space<hbm>>
    %dma_wait3A_170 = arith.constant 0 : i32
    %dma_wait3A_171 = arith.constant 0 : i32
    %dma_wait3A_172 = tpu.memref_slice %arg7[%dma_wait3A_161, %dma_wait3A_170, %dma_wait3A_171] : memref<4x256x64xf32, #tpu.memory_space<vmem>> -> memref<1x256x64xf32, #tpu.memory_space<vmem>>
    %dma_wait3A_173 = tpu.memref_squeeze %dma_wait3A_172 : memref<1x256x64xf32, #tpu.memory_space<vmem>> -> memref<256x64xf32, #tpu.memory_space<vmem>>
    tpu.wait_dma2 semaphore(%arg13 : memref<!tpu.dma_semaphore, #tpu.memory_space<semaphore_mem>>) src(%dma_wait3A_173 : memref<256x64xf32, #tpu.memory_space<vmem>>) dst(%dma_wait3A_169 : memref<256x64xf32, #tpu.memory_space<hbm>>)
    %dma_wait3A_174 = arith.constant 2 : i32
    %dma_wait3A_175 = arith.constant 0 : i32
    %dma_wait3A_176 = arith.constant 0 : i32
    %dma_wait3A_177 = tpu.memref_slice %arg7[%dma_wait3A_174, %dma_wait3A_175, %dma_wait3A_176] : memref<4x256x64xf32, #tpu.memory_space<vmem>> -> memref<1x256x64xf32, #tpu.memory_space<vmem>>
    %dma_wait3A_178 = tpu.memref_squeeze %dma_wait3A_177 : memref<1x256x64xf32, #tpu.memory_space<vmem>> -> memref<256x64xf32, #tpu.memory_space<vmem>>
    %dma_wait3A_179 = arith.constant 0 : i32
    %dma_wait3A_180 = tpu.memref_slice %arg4[%mul3A_2, %dma_wait3A_179] : memref<819200x128xf32, #tpu.memory_space<hbm>> -> memref<256x64xf32, #tpu.memory_space<hbm>>
    %dma_wait3A_181 = arith.constant 0 : i32
    %dma_wait3A_182 = tpu.memref_slice %arg4[%mul3A_2, %dma_wait3A_181] : memref<819200x128xf32, #tpu.memory_space<hbm>> -> memref<256x64xf32, #tpu.memory_space<hbm>>
    %dma_wait3A_183 = arith.constant 0 : i32
    %dma_wait3A_184 = arith.constant 0 : i32
    %dma_wait3A_185 = tpu.memref_slice %arg7[%dma_wait3A_174, %dma_wait3A_183, %dma_wait3A_184] : memref<4x256x64xf32, #tpu.memory_space<vmem>> -> memref<1x256x64xf32, #tpu.memory_space<vmem>>
    %dma_wait3A_186 = tpu.memref_squeeze %dma_wait3A_185 : memref<1x256x64xf32, #tpu.memory_space<vmem>> -> memref<256x64xf32, #tpu.memory_space<vmem>>
    tpu.wait_dma2 semaphore(%arg14 : memref<!tpu.dma_semaphore, #tpu.memory_space<semaphore_mem>>) src(%dma_wait3A_186 : memref<256x64xf32, #tpu.memory_space<vmem>>) dst(%dma_wait3A_182 : memref<256x64xf32, #tpu.memory_space<hbm>>)
    %dma_wait3A_187 = arith.constant 3 : i32
    %dma_wait3A_188 = arith.constant 0 : i32
    %dma_wait3A_189 = arith.constant 0 : i32
    %dma_wait3A_190 = tpu.memref_slice %arg7[%dma_wait3A_187, %dma_wait3A_188, %dma_wait3A_189] : memref<4x256x64xf32, #tpu.memory_space<vmem>> -> memref<1x256x64xf32, #tpu.memory_space<vmem>>
    %dma_wait3A_191 = tpu.memref_squeeze %dma_wait3A_190 : memref<1x256x64xf32, #tpu.memory_space<vmem>> -> memref<256x64xf32, #tpu.memory_space<vmem>>
    %dma_wait3A_192 = arith.constant 0 : i32
    %dma_wait3A_193 = tpu.memref_slice %arg4[%mul3A_2, %dma_wait3A_192] : memref<819200x128xf32, #tpu.memory_space<hbm>> -> memref<256x64xf32, #tpu.memory_space<hbm>>
    %dma_wait3A_194 = arith.constant 0 : i32
    %dma_wait3A_195 = tpu.memref_slice %arg4[%mul3A_2, %dma_wait3A_194] : memref<819200x128xf32, #tpu.memory_space<hbm>> -> memref<256x64xf32, #tpu.memory_space<hbm>>
    %dma_wait3A_196 = arith.constant 0 : i32
    %dma_wait3A_197 = arith.constant 0 : i32
    %dma_wait3A_198 = tpu.memref_slice %arg7[%dma_wait3A_187, %dma_wait3A_196, %dma_wait3A_197] : memref<4x256x64xf32, #tpu.memory_space<vmem>> -> memref<1x256x64xf32, #tpu.memory_space<vmem>>
    %dma_wait3A_199 = tpu.memref_squeeze %dma_wait3A_198 : memref<1x256x64xf32, #tpu.memory_space<vmem>> -> memref<256x64xf32, #tpu.memory_space<vmem>>
    tpu.wait_dma2 semaphore(%arg15 : memref<!tpu.dma_semaphore, #tpu.memory_space<semaphore_mem>>) src(%dma_wait3A_199 : memref<256x64xf32, #tpu.memory_space<vmem>>) dst(%dma_wait3A_195 : memref<256x64xf32, #tpu.memory_space<hbm>>)
    return
  }
}

</mosaic_0001>

<sc_bundles>
// kernel: kernel.3.cloned.1.call-start
scs
__scs_entry_jumppad:
0x0: {  	(pc) =	sbr.rel $0x88, $3  }
0x1: {  	(tag) =	ssettag $0x0;
	lr =	simm.s32 $0x1  }
0x2: {  	[smem:$0x3F9F] =	sst lr;
	_ =	strace $0xD0000000  }
0x3: {  	_ = 	snop  }
0x4: {  	_ = 	snop  }
0x5: {  	_ = 	snop  }
0x6: {  	_ = 	snop  }
0x7: {  	_ = 	snop  }
__scs_overlays_trampoline_lowered:
0x8: {  	[smem:$0x3FAE] =	sst s0  }
0x9: {  	[smem:$0x3FAF] =	sst s1  }
0xa: {  	[smem:$0x3FB0] =	sst s2  }
0xb: {  	[smem:$0x3FB1] =	sst s3  }
0xc: {  	[smem:$0x3FB2] =	sst s4  }
0xd: {  	[smem:$0x3FB3] =	sst s5  }
0xe: {  	[smem:$0x3FB4] =	sst s6  }
0xf: {  	[smem:$0x3FB5] =	sst s7  }
0x10: {  	[smem:$0x3FB6] =	sst s8  }
0x11: {  	[smem:$0x3FB7] =	sst s9;
	s0 =	simm.s32 @!p0 $0x0  }
0x12: {  	s1 =	sld [smem:$0x3F9D];
	s0 =	simm.s32 @p0 $0x1  }
0x13: {  	[smem:$0x3FB8] =	sst s0;
	s0 =	simm.s32 @!p1 $0x0  }
0x14: {  	s2 =	sld [smem:$0x3F9C];
	s0 =	simm.s32 @p1 $0x1  }
0x15: {  	[smem:$0x3FB9] =	sst s0;
	s0 =	simm.s32 @!p2 $0x0  }
0x16: {  	s3 =	sld [smem:$0x3FDB];
	s0 =	simm.s32 @p2 $0x1  }
0x17: {  	s4 =	simm.s32 $0x1BF5;
	[smem:$0x3FBB] =	sst s0  }
0x18: {  	s0 =	sld [smem:$0x3F9E];
	_ =	swait.ge [sflag:s4], $0x0  }
0x19: {  	s7 =	sld [smem:$0x3F9F]  }
0x1a: {  	s8 =	sadd.s32 $0xFFFFE003, lr  }
0x1b: {  	s9 =	sadd.s32 $0xFFFFFEF7, lr;
	s5 =	simm.s32 $0xFFFFFFFF;
	p2 =	slt.u32 s8, $0xFFFFF086  }
0x1c: {  	p1 =	slt.u32 s9, $0xF7A;
	s5 =	simm.s32 @!p2 $0x0  }
0x1d: {  	s5 =	simm.s32 @p1 $0x1;
	p0 =	seq.s32 s7, s2  }
0x1e: {  	s7 =	smul.u32 @!p0 $0xF7A, s2;
	p2 =	seq.s32 @!p0 s5, $0x0  }
0x1f: {  	s9 =	smul.u32 $0xF7A, s1;
	s8 =	simm.s32 @!p0 $0x1BF5;
	p2 =	por !p2, p0  }
0x20: {  	[sflag:s8] =	ssyncset.s32 @!p0 $0xFFFFF086;
	s6 =	sadd.s32 @!p0 s3, s7;
	s7 =	simm.s32 @!p0 $0x108  }
0x21: {  	s3 =	sadd.s32 s3, s9;
	s6 =	sadd.s32 @!p0 $0x88, s6;
	s7 =	simm.s32 @p2 $0x1082  }
0x22: {  	[simem:s7], [sflag:s8] =	dma.local @!p0 [hbm:s6], $0xF7A  }
0x23: {  	s9 =	sor.u32 $0xD0000000, s2;
	s6 =	simm.s32 $0x108;
	_ =	swait.ge @!p0 [sflag:s8], $0x0  }
0x24: {  	s3 =	sadd.s32 $0x88, s3;
	s6 =	simm.s32 @!p1 $0x1082;
	[sflag:s4] =	ssyncset.s32 $0xFFFFF086  }
0x25: {  	[simem:s6], [sflag:s4] =	dma.local [hbm:s3], $0xF7A  }
0x26: {  	[smem:$0x3F9F] =	sst s1;
	(tag) =	ssettag s2;
	_ =	strace s9  }
0x27: {  	s1 =	sld [smem:$0x3FAF]  }
0x28: {  	s2 =	sld [smem:$0x3FB0]  }
0x29: {  	s4 =	sld [smem:$0x3FB2]  }
0x2a: {  	p0 =	seq.s32 s5, $0x0;
	s5 =	sld [smem:$0x3FB3]  }
0x2b: {  	s6 =	sld [smem:$0x3FB4]  }
0x2c: {  	s7 =	sld [smem:$0x3FB5]  }
0x2d: {  	s3 =	simm.s32 $0x108;
	s8 =	sld [smem:$0x3FB6]  }
0x2e: {  	s3 =	simm.s32 @!p0 $0x1082;
	s9 =	sld [smem:$0x3FB7]  }
0x2f: {  	lr =	sadd.s32 s0, s3;
	s0 =	sld [smem:$0x3FAE]  }
0x30: {  	s3 =	sld [smem:$0x3FB1]  }
0x31: {  	[smem:$0x3FBA] =	sst s10  }
0x32: {  	s10 =	sld [smem:$0x3FB8];
	_ =	sdelay $0x3  }
0x33: {  	p0 =	seq.s32 s10, $0x1;
	s10 =	sld [smem:$0x3FBA];
	_ =	sdelay $0x3  }
0x34: {  	[smem:$0x3FBA] =	sst s10  }
0x35: {  	s10 =	sld [smem:$0x3FB9];
	_ =	sdelay $0x3  }
0x36: {  	p1 =	seq.s32 s10, $0x1;
	s10 =	sld [smem:$0x3FBA];
	_ =	sdelay $0x3  }
0x37: {  	[smem:$0x3FBA] =	sst s10  }
0x38: {  	s10 =	sld [smem:$0x3FBB]  }
0x39: {  	_ = 	snop;
	(pc) =	sbr.ind lr, $3  }
0x3a: {  	_ = 	snop  }
0x3b: {  	_ = 	snop  }
0x3c: {  	p2 =	seq.s32 s10, $0x1;
	s10 =	sld [smem:$0x3FBA]  }
0x3d: {  	_ =	shalt  }
0x3e: {  	_ =	shalt  }
0x3f: {  	_ =	shalt  }
0x40: {  	_ =	shalt  }
0x41: {  	_ =	shalt  }
0x42: {  	_ =	shalt  }
0x43: {  	_ =	shalt  }
0x44: {  	_ =	shalt  }
0x45: {  	_ =	shalt  }
0x46: {  	_ =	shalt  }
0x47: {  	_ =	shalt  }
0x48: {  	_ =	shalt  }
0x49: {  	_ =	shalt  }
0x4a: {  	_ =	shalt  }
0x4b: {  	_ =	shalt  }
0x4c: {  	_ =	shalt  }
0x4d: {  	_ =	shalt  }
0x4e: {  	_ =	shalt  }
0x4f: {  	_ =	shalt  }
0x50: {  	_ =	shalt  }
0x51: {  	_ =	shalt  }
0x52: {  	_ =	shalt  }
0x53: {  	_ =	shalt  }
0x54: {  	_ =	shalt  }
0x55: {  	_ =	shalt  }
0x56: {  	_ =	shalt  }
0x57: {  	_ =	shalt  }
0x58: {  	_ =	shalt  }
0x59: {  	_ =	shalt  }
0x5a: {  	_ =	shalt  }
0x5b: {  	_ =	shalt  }
0x5c: {  	_ =	shalt  }
0x5d: {  	_ =	shalt  }
0x5e: {  	_ =	shalt  }
0x5f: {  	_ =	shalt  }
0x60: {  	_ =	shalt  }
0x61: {  	_ =	shalt  }
0x62: {  	_ =	shalt  }
0x63: {  	_ =	shalt  }
0x64: {  	_ =	shalt  }
0x65: {  	_ =	shalt  }
0x66: {  	_ =	shalt  }
0x67: {  	_ =	shalt  }
0x68: {  	_ =	shalt  }
0x69: {  	_ =	shalt  }
0x6a: {  	_ =	shalt  }
0x6b: {  	_ =	shalt  }
0x6c: {  	_ =	shalt  }
0x6d: {  	_ =	shalt  }
0x6e: {  	_ =	shalt  }
0x6f: {  	_ =	shalt  }
0x70: {  	_ =	shalt  }
0x71: {  	_ =	shalt  }
0x72: {  	_ =	shalt  }
0x73: {  	_ =	shalt  }
0x74: {  	_ =	shalt  }
0x75: {  	_ =	shalt  }
0x76: {  	_ =	shalt  }
0x77: {  	_ =	shalt  }
0x78: {  	_ =	shalt  }
0x79: {  	_ =	shalt  }
0x7a: {  	_ =	shalt  }
0x7b: {  	_ =	shalt  }
0x7c: {  	_ =	shalt  }
0x7d: {  	_ =	shalt  }
0x7e: {  	_ =	shalt  }
0x7f: {  	_ =	shalt  }
0x80: {  	_ =	shalt  }
0x81: {  	_ =	shalt  }
0x82: {  	_ =	shalt  }
0x83: {  	_ =	shalt  }
0x84: {  	_ =	shalt  }
0x85: {  	_ =	shalt  }
0x86: {  	_ =	shalt  }
0x87: {  	_ =	shalt  }
.Lfunc_end0:
.L_simem_size_0:
called_computation.1_lowered:
.L_overlay_start_0:
0x88: {  	s2 =	sld [smem:$0x3FD9]  }
0x89: {  	s3 =	sld [smem:$0x3FFE];
	_ =	sdelay $0x1  }
0x8a: {  	s1 =	srdreg.scid  }
0x8b: {  	s0 =	sand.u32 $0x1, s1  }
0x8c: {  	s17 =	sshll.u32 s0, $0xA;
	s2 =	sadd.s32 s3, s2  }
0x8d: {  	s2 =	sadd.s32 s2, s17  }
0x8e: {  	[smem:$0x3FC6] =	sst s2  }
0x8f: {  	_ = 	snop  }
0x90: {  	s2 =	sld [smem:$0x3FD0];
	(tm) =	ssettm $0x1  }
0x91: {  	s18 =	sld [smem:$0x3FFB];
	_ =	sdelay $0x3  }
0x92: {  	_ =	strace s18  }
0x93: {  	s3 =	sld [smem:$0x3FFC];
	_ =	sdelay $0x3  }
0x94: {  	_ =	strace s3  }
0x95: {  	s3 =	sld [smem:$0x3FFD];
	_ =	sdelay $0x3  }
0x96: {  	_ =	strace s3  }
0x97: {  	_ =	strace $0x8FFFFFFF  }
0x98: {  	s19 =	sld [smem:$0x3FDB];
	_ =	sdelay $0x1  }
0x99: {  	s4 =	simm.s32 $_scs_section_size  }
0x9a: {  	s5 =	simm.s32 $_size__tile_overlayer_lowered;
	s6 =	simm.s32 $_tile_overlayer_lowered  }
0x9b: {  	s22 =	simm.s32 $0x1BFF;
	s21 =	sshll.u32 s6, $0x1;
	s3 =	sadd.s32 s4, s19  }
0x9c: {  	s7 =	simm.s32 $0x0;
	s20 =	sshll.u32 s5, $0x1;
	s5 =	sadd.s32 s21, s3  }
0x9d: {  	[timem:s7], [sflag:s22] =	dma.local [hbm:s5], s20  }
0x9e: {  	_ =	swait.ge [sflag:s22], s20  }
0x9f: {  	s4 =	ssub.s32 $0x0, s20;
	[sflag:s22] =	ssyncset.done $0x0  }
0xa0: {  	[sflag:s22] =	ssyncadd.s32 s4;
	_ =	sdelay $0x1  }
0xa1: {  	s23 =	simm.s32 $0x1B8B  }
0xa2: {  	_ =	swait.ge [sflag:s23], $0x1  }
0xa3: {  	[sflag:s23] =	ssyncset.done $0x0  }
0xa4: {  	s25 =	simm.s32 $0x1B8E;
	s24 =	sld [smem:$0x3FFE];
	[sflag:s23] =	ssyncadd.s32 $0xFFFFFFFF  }
0xa5: {  	s26 =	simm.s32 $execute0_lowered;
	[smem:$0x3FD2] =	sst s25  }
0xa6: {  	s5 =	sshll.u32 s26, $0x1;
	_ =	strace $0x80000046;
	[dreg:$0x1] =	wrdreg $0xFFFFFFFF  }
0xa7: {  	s28 =	simm.s32 $_size_execute0_lowered;
	s3 =	sadd.s32 s3, s5;
	[dreg:$0x0] =	wrdreg $0x0  }
0xa8: {  	s5 =	sshll.u32 s28, $0x1;
	[dreg:$0x2] =	wrdreg s3  }
0xa9: {  	[dreg:$0x3] =	wrdreg s5  }
0xaa: {  	[dreg:$0x4] =	wrdreg $0xC0  }
0xab: {  	_ =	task [dreg:s7], $0x5FFFF  }
0xac: {  	[dreg:$0x1] =	wrdreg $0xFFFFFFFF  }
0xad: {  	[dreg:$0x0] =	wrdreg $0x60  }
0xae: {  	[dreg:$0x2] =	wrdreg s2  }
0xaf: {  	[dreg:$0x3] =	wrdreg s24  }
0xb0: {  	[dreg:$0x4] =	wrdreg $0x64000  }
0xb1: {  	[dreg:$0x5] =	wrdreg $0x9  }
0xb2: {  	_ =	task.clear_ibuf [dreg:s7], $0x6FFFF;
	_ =	strace $0x90000046  }
0xb3: {  	s29 =	simm.s32 $0x9;
	_ =	strace $0x80000048  }
0xb4: {  	_ =	swait.ge [sflag:s29], $0x1  }
0xb5: {  	[sflag:s29] =	ssyncadd.s32 $0xFFFFFFFF  }
0xb6: {  	_ =	strace $0x90000048  }
0xb7: {  	_ =	sfence  }
0xb8: {  	s30 =	sld [smem:$0x0];
	_ =	sdelay $0x2  }
0xb9: {  	s31 =	sshll.u32 s1, $0xD;
	s1 =	sshrl.u32 s1, $0x2  }
0xba: {  	s3 =	sand.u32 $0x4000, s31;
	s1 =	sadd.s32 s1, s30  }
0xbb: {  	s0 =	sor.u32 s3, s0;
	s1 =	sshll.u32 s1, $0x11  }
0xbc: {  	s0 =	sor.u32 s1, s0  }
0xbd: {  	s0 =	sadd.s32 $0x8F2B, s0  }
0xbe: {  	[sflag:s0] =	ssyncadd.remote.s32 $0x1  }
0xbf: {  	_ =	sfence.sel $0xFFFF  }
0xc0: {  	[dreg:$0x0] =	wrdreg $0xFFFFFFFF;
	(pc) =	sbr.abs _section_cstart, $3  }
0xc1: {  	[dreg:$0x1] =	wrdreg $0xFFFFFFFF  }
0xc2: {  	_ =	task.clear_ibuf [dreg:s7], $0x2FFFF;
	_ =	strace $0x9FFFFFFF  }
0xc3: {  	(tm) =	ssettm $0x7FFFFFFF  }
tec
execute0_lowered:
.L_overlay_start_1:
0x0: {  	(tag) =	ssettag $0x1  }
0x1: {  	s0 =	rddreg [dreg:$0x0]  }
0x2: {  	s2 =	rddreg [dreg:$0x1];
	s3 =	srdreg.scid  }
0x3: {  	s4 =	stileid.u32;
	s1 =	rddreg [dreg:$0x2]  }
0x4: {  	s6 =	simm.s32 $0x0;
	s15 =	simm.s32 $0x9;
	s16 =	simm.s32 $0x100  }
0x5: {  	s17 =	simm.s32 $0x6738;
	s18 =	simm.s32 $0xA738;
	s19 =	simm.s32 $0x1  }
0x6: {  	s20 =	simm.s32 $0x40;
	s21 =	simm.s32 $0x80;
	s28 =	simm.s32 $0x3  }
0x7: {  	s29 =	simm.s32 $0x5;
	s30 =	simm.s32 $0x4;
	s31 =	simm.s32 $0x6  }
0x8: {  	s22 =	simm.s32 $0x8;
	s3 =	sand.u32 $0x1, s3;
	s5 =	sshll.u32 s4, $0x1  }
0x9: {  	[smem:$0x7FF] =	sst s6;
	s8 =	sadd.s32 $0x800, s2;
	s9 =	smul.u32 $0xC800, s4  }
0xa: {  	s5 =	sor.u32 s3, s5;
	s24 =	ssub.s32 $0x2, s3;
	s3 =	smul.u32 $0x6400, s3  }
0xb: {  	s2 =	sadd.s32 $0x1000, s2;
	p0 =	sne.s32 s4, $0x0;
	s23 =	smul.u32 $0x6400, s5  }
0xc: {  	_ =	strace $0x80000047;
	[dreg:$0x4] =	wrdreg s8;
	s7 =	smul.u32 $0x320000, s5  }
0xd: {  	s14 =	sshrl.u32 @!p0 s1, $0x3;
	s10 =	sshrl.u32 s24, $0x1;
	s5 =	smul.u32 $0x64000, s5  }
0xe: {  	s8 =	ssub.s32 s24, s10;
	s3 =	sadd.s32 s3, s9;
	s24 =	simm.s32 $0x2  }
0xf: {  	s6 =	sshrl.u32 s23, $0x3;
	s25 =	sshrl.u32 s7, $0x3;
	s5 =	sadd.s32 s2, s5  }
0x10: {  	s3 =	sshll.u32 s3, $0x4;
	s0 =	sadd.s32 s0, s6;
	[dreg:$0x6] =	wrdreg s5  }
0x11: {  	s9 =	smax.u32 s8, $0x1;
	s5 =	sadd.s32 $0x1000, s5;
	[dreg:$0x5] =	wrdreg s0  }
0x12: {  	s23 =	simm.s32 $0xE738;
	s0 =	sadd.s32 s2, s25;
	[dreg:$0x7] =	wrdreg s5  }
0x13: {  	s2 =	sadd.s32 s2, s3;
	s25 =	simm.s32 $0x0;
	s26 =	sadd.s32 $0x62000, s0  }
0x14: {  	s0 =	sadd.s32 $0x63000, s0;
	s10 =	sadd.s32 $0x3000, s2;
	s11 =	sadd.s32 $0x2000, s2  }
0x15: {  	s12 =	sadd.s32 $0x5000, s2;
	s13 =	sadd.s32 $0x4000, s2;
	[dreg:$0x8] =	wrdreg s26  }
0x16: {  	[dreg:$0x9] =	wrdreg s0;
	s26 =	simm.s32 $0x12738;
	s0 =	simm.s32 $0x7  }
.LBB2_1:
0x17: {  	s2 =	simm.s32 @!p0 $0x1C09;
	s3 =	rddreg [dreg:$0x4]  }
0x18: {  	[spmem:s14], [sflag:s2] =	dma.local @!p0 [hbm:s3], $0x668  }
0x19: {  	s2 =	simm.s32 @!p0 $0x9  }
0x1a: {  	_ =	swait.ge @!p0 [sflag:s2], $0x668  }
0x1b: {  	[sflag:s2] =	ssyncset.done @!p0 $0x0  }
0x1c: {  	s6 =	simm.s32 $0x0;
	s7 =	rddreg [dreg:$0x5];
	[sflag:s2] =	ssyncadd.s32 @!p0 $0xFFFFF998  }
0x1d: {  	[tilespmem:s6], [sflag:$0x9] =	stream.linear.gather [hbm4b:s7+s6], $0x6400, $0x38;
	[tilespmem:$0x16738] =	vst v63  }
0x1e: {  	_ =	swait.ge [sflag:s15], $0x6400  }
0x1f: {  	[sflag:s15] =	ssyncset.done $0x0  }
0x20: {  	[sflag:s15] =	ssyncadd.s32 $0xFFFF9C00  }
0x21: {  	[bflag:$0x0] =	sbarrier.arrive $0xFFFF  }
0x22: {  	[tilespmem:s17], [sflag:$0x1] =	stream.indirect.gather [spmem:s1], $0x40, s6, s16, $0xb8;
	[tilespmem:$0x16738] =	vst v63  }
0x23: {  	_ = 	snop  }
0x24: {  	[tilespmem:s18], [sflag:$0x2] =	stream.indirect.gather [spmem:s1], $0x40, s16, s16, $0xb8;
	[tilespmem:$0x16738] =	vst v63  }
0x25: {  	_ =	swait.ge [sflag:s19], $0x4000  }
0x26: {  	[sflag:s19] =	ssyncset.done $0x0  }
0x27: {  	s8 =	rddreg [dreg:$0x6];
	[sflag:s19] =	ssyncadd.s32 $0xFFFFC000  }
0x28: {  	[hbm4b:s8+s20] =	stream.strided.scatter [tilespmem:s17], [sflag:$0x5], $0x4000, s21, s20, $0x38;
	[tilespmem:$0x16738] =	vst v63  }
0x29: {  	s3 =	simm.s32 $0x200  }
0x2a: {  	[tilespmem:s23], [sflag:$0x3] =	stream.indirect.gather [spmem:s1], $0x40, s3, s16, $0xb8;
	[tilespmem:$0x16738] =	vst v63  }
0x2b: {  	_ =	swait.ge [sflag:s24], $0x4000  }
0x2c: {  	[sflag:s24] =	ssyncset.done $0x0  }
0x2d: {  	s4 =	rddreg [dreg:$0x7];
	[sflag:s24] =	ssyncadd.s32 $0xFFFFC000  }
0x2e: {  	[hbm4b:s4+s20] =	stream.strided.scatter [tilespmem:s18], [sflag:$0x6], $0x4000, s21, s20, $0x38;
	[tilespmem:$0x16738] =	vst v63  }
0x2f: {  	s5 =	simm.s32 $0x300  }
0x30: {  	[tilespmem:s26], [sflag:$0x4] =	stream.indirect.gather [spmem:s1], $0x40, s5, s16, $0xb8;
	[tilespmem:$0x16738] =	vst v63  }
0x31: {  	_ =	swait.ge [sflag:s28], $0x4000  }
0x32: {  	[sflag:s28] =	ssyncset.done $0x0  }
0x33: {  	[sflag:s28] =	ssyncadd.s32 $0xFFFFC000  }
0x34: {  	[hbm4b:s11+s20] =	stream.strided.scatter [tilespmem:s23], [sflag:$0x7], $0x4000, s21, s20, $0x38;
	[tilespmem:$0x16738] =	vst v63  }
0x35: {  	_ =	swait.ge [sflag:s29], $0x4000  }
0x36: {  	[sflag:s29] =	ssyncset.done $0x0  }
0x37: {  	s6 =	simm.s32 $0x400;
	[sflag:s29] =	ssyncadd.s32 $0xFFFFC000  }
0x38: {  	[tilespmem:s17], [sflag:$0x1] =	stream.indirect.gather [spmem:s1], $0x40, s6, s16, $0xb8;
	[tilespmem:$0x16738] =	vst v63  }
0x39: {  	_ =	swait.ge [sflag:s30], $0x4000  }
0x3a: {  	[sflag:s30] =	ssyncset.done $0x0  }
0x3b: {  	[sflag:s30] =	ssyncadd.s32 $0xFFFFC000  }
0x3c: {  	[hbm4b:s10+s20] =	stream.strided.scatter [tilespmem:s26], [sflag:$0x8], $0x4000, s21, s20, $0x38;
	[tilespmem:$0x16738] =	vst v63  }
0x3d: {  	_ =	swait.ge [sflag:s31], $0x4000  }
0x3e: {  	[sflag:s31] =	ssyncset.done $0x0  }
0x3f: {  	s7 =	simm.s32 $0x500;
	[sflag:s31] =	ssyncadd.s32 $0xFFFFC000  }
0x40: {  	[tilespmem:s18], [sflag:$0x2] =	stream.indirect.gather [spmem:s1], $0x40, s7, s16, $0xb8;
	[tilespmem:$0x16738] =	vst v63  }
0x41: {  	_ =	swait.ge [sflag:s19], $0x4000  }
0x42: {  	[sflag:s19] =	ssyncset.done $0x0  }
0x43: {  	[sflag:s19] =	ssyncadd.s32 $0xFFFFC000  }
0x44: {  	[hbm4b:s13+s20] =	stream.strided.scatter [tilespmem:s17], [sflag:$0x5], $0x4000, s21, s20, $0x38;
	[tilespmem:$0x16738] =	vst v63  }
0x45: {  	_ =	swait.ge [sflag:s0], $0x4000  }
0x46: {  	[sflag:s0] =	ssyncset.done $0x0  }
0x47: {  	s8 =	simm.s32 $0x600;
	[sflag:s0] =	ssyncadd.s32 $0xFFFFC000  }
0x48: {  	[tilespmem:s23], [sflag:$0x3] =	stream.indirect.gather [spmem:s1], $0x40, s8, s16, $0xb8;
	[tilespmem:$0x16738] =	vst v63  }
0x49: {  	_ =	swait.ge [sflag:s24], $0x4000  }
0x4a: {  	[sflag:s24] =	ssyncset.done $0x0  }
0x4b: {  	[sflag:s24] =	ssyncadd.s32 $0xFFFFC000  }
0x4c: {  	[hbm4b:s12+s20] =	stream.strided.scatter [tilespmem:s18], [sflag:$0x6], $0x4000, s21, s20, $0x38;
	[tilespmem:$0x16738] =	vst v63  }
0x4d: {  	s2 =	simm.s32 $0x1000;
	s3 =	sadd.s32 $0x4000, s13;
	_ =	swait.ge [sflag:s22], $0x4000  }
0x4e: {  	s4 =	sadd.s32 $0x4000, s11;
	s6 =	sadd.s32 $0x4000, s12;
	[sflag:s22] =	ssyncset.done $0x0  }
0x4f: {  	s7 =	sadd.s32 $0x4000, s10;
	s8 =	simm.s32 $0x700;
	[sflag:s22] =	ssyncadd.s32 $0xFFFFC000  }
.LBB2_2:
0x50: {  	[tilespmem:s26], [sflag:$0x4] =	stream.indirect.gather [spmem:s1], $0x40, s8, s16, $0xb8;
	[tilespmem:$0x16738] =	vst v63  }
0x51: {  	s8 =	smov.u32 s2  }
0x52: {  	p1 =	sne.s32 s2, $0x17000;
	s2 =	sadd.s32 $0x1000, s2;
	_ =	swait.ge [sflag:s28], $0x4000  }
0x53: {  	[sflag:s28] =	ssyncset.done $0x0  }
0x54: {  	[sflag:s28] =	ssyncadd.s32 $0xFFFFC000  }
0x55: {  	[hbm4b:s4+s20] =	stream.strided.scatter [tilespmem:s23], [sflag:$0x7], $0x4000, s21, s20, $0x38;
	[tilespmem:$0x16738] =	vst v63  }
0x56: {  	_ =	swait.ge [sflag:s29], $0x4000  }
0x57: {  	s8 =	sshra.s32 s8, $0x2;
	[sflag:s29] =	ssyncset.done $0x0  }
0x58: {  	s5 =	sadd.s32 $0x400, s8;
	[sflag:s29] =	ssyncadd.s32 $0xFFFFC000  }
0x59: {  	[tilespmem:s17], [sflag:$0x1] =	stream.indirect.gather [spmem:s1], $0x40, s5, s16, $0xb8;
	[tilespmem:$0x16738] =	vst v63  }
0x5a: {  	_ =	swait.ge [sflag:s30], $0x4000  }
0x5b: {  	[sflag:s30] =	ssyncset.done $0x0  }
0x5c: {  	[sflag:s30] =	ssyncadd.s32 $0xFFFFC000  }
0x5d: {  	[hbm4b:s7+s20] =	stream.strided.scatter [tilespmem:s26], [sflag:$0x8], $0x4000, s21, s20, $0x38;
	[tilespmem:$0x16738] =	vst v63  }
0x5e: {  	_ =	swait.ge [sflag:s31], $0x4000  }
0x5f: {  	[sflag:s31] =	ssyncset.done $0x0  }
0x60: {  	s5 =	sadd.s32 $0x500, s8;
	[sflag:s31] =	ssyncadd.s32 $0xFFFFC000  }
0x61: {  	[tilespmem:s18], [sflag:$0x2] =	stream.indirect.gather [spmem:s1], $0x40, s5, s16, $0xb8;
	[tilespmem:$0x16738] =	vst v63  }
0x62: {  	_ =	swait.ge [sflag:s19], $0x4000  }
0x63: {  	[sflag:s19] =	ssyncset.done $0x0  }
0x64: {  	[sflag:s19] =	ssyncadd.s32 $0xFFFFC000  }
0x65: {  	[hbm4b:s3+s20] =	stream.strided.scatter [tilespmem:s17], [sflag:$0x5], $0x4000, s21, s20, $0x38;
	[tilespmem:$0x16738] =	vst v63  }
0x66: {  	_ =	swait.ge [sflag:s0], $0x4000  }
0x67: {  	[sflag:s0] =	ssyncset.done $0x0  }
0x68: {  	s5 =	sadd.s32 $0x600, s8;
	[sflag:s0] =	ssyncadd.s32 $0xFFFFC000  }
0x69: {  	[tilespmem:s23], [sflag:$0x3] =	stream.indirect.gather [spmem:s1], $0x40, s5, s16, $0xb8;
	[tilespmem:$0x16738] =	vst v63  }
0x6a: {  	_ =	swait.ge [sflag:s24], $0x4000  }
0x6b: {  	[sflag:s24] =	ssyncset.done $0x0  }
.Ltmp0:
0x6c: {  	[sflag:s24] =	ssyncadd.s32 $0xFFFFC000;
	(pc) =	sbr.rel @p1 .LBB2_2-.Ltmp0, $4  }
0x6d: {  	[hbm4b:s6+s20] =	stream.strided.scatter [tilespmem:s18], [sflag:$0x6], $0x4000, s21, s20, $0x38;
	[tilespmem:$0x16738] =	vst v63  }
0x6e: {  	s3 =	sadd.s32 $0x4000, s3;
	_ =	swait.ge [sflag:s22], $0x4000  }
0x6f: {  	s4 =	sadd.s32 $0x4000, s4;
	s6 =	sadd.s32 $0x4000, s6;
	[sflag:s22] =	ssyncset.done $0x0  }
0x70: {  	s7 =	sadd.s32 $0x4000, s7;
	s8 =	sadd.s32 $0x700, s8;
	[sflag:s22] =	ssyncadd.s32 $0xFFFFC000  }
0x71: {  	[tilespmem:s26], [sflag:$0x4] =	stream.indirect.gather [spmem:s1], $0x40, s8, s16, $0xb8;
	[tilespmem:$0x16738] =	vst v63  }
0x72: {  	_ =	swait.ge [sflag:s28], $0x4000  }
0x73: {  	[sflag:s28] =	ssyncset.done $0x0  }
0x74: {  	s2 =	rddreg [dreg:$0x8];
	[sflag:s28] =	ssyncadd.s32 $0xFFFFC000  }
0x75: {  	[hbm4b:s2+s20] =	stream.strided.scatter [tilespmem:s23], [sflag:$0x7], $0x4000, s21, s20, $0x38;
	[tilespmem:$0x16738] =	vst v63  }
0x76: {  	_ =	swait.ge [sflag:s30], $0x4000  }
0x77: {  	[sflag:s30] =	ssyncset.done $0x0  }
0x78: {  	s8 =	rddreg [dreg:$0x9];
	[sflag:s30] =	ssyncadd.s32 $0xFFFFC000  }
0x79: {  	[hbm4b:s8+s20] =	stream.strided.scatter [tilespmem:s26], [sflag:$0x8], $0x4000, s21, s20, $0x38;
	[tilespmem:$0x16738] =	vst v63  }
0x7a: {  	_ =	swait.ge [sflag:s29], $0x4000  }
0x7b: {  	[sflag:s29] =	ssyncset.done $0x0  }
0x7c: {  	[sflag:s29] =	ssyncadd.s32 $0xFFFFC000  }
0x7d: {  	_ =	swait.ge [sflag:s31], $0x4000  }
0x7e: {  	[sflag:s31] =	ssyncset.done $0x0  }
0x7f: {  	s25 =	sadd.s32 $0x1, s25;
	[sflag:s31] =	ssyncadd.s32 $0xFFFFC000  }
0x80: {  	p1 =	sne.s32 s25, s9;
	_ =	swait.ge [sflag:s0], $0x4000  }
.Ltmp1:
0x81: {  	[sflag:s0] =	ssyncset.done $0x0;
	(pc) =	sbr.rel @p1 .LBB2_1-.Ltmp1, $4  }
0x82: {  	[sflag:s0] =	ssyncadd.s32 $0xFFFFC000  }
0x83: {  	_ =	swait.ge [sflag:s22], $0x4000  }
0x84: {  	[sflag:s22] =	ssyncset.done $0x0  }
0x85: {  	[sflag:s22] =	ssyncadd.s32 $0xFFFFC000  }
0x86: {  	_ =	sfence.sel $0x180000  }
0x87: {  	[bflag:$0x0] =	sbarrier.arrive $0xFFFF  }
0x88: {  	_ =	strace $0x90000047  }
0x89: {  	[bflag:$0x2] =	sbarrier.arrive $0xFFFF  }
0x8a: {  	s0 =	rddreg [dreg:$0x3]  }
0x8b: {  	s0 =	sadd.s32 @!p0 $0x100000, s0  }
0x8c: {  	[sflag:s0] =	ssyncadd.tile.s32 @!p0 $0x1;
	_ =	shalt  }
.Lfunc_end2:
_tile_overlayer_lowered:
.L_overlay_start_2:
0x8d: {  	(tag) =	ssettag $0x2  }
0x8e: {  	s0 =	rddreg [dreg:$0x0];
	s2 =	stileid.u32  }
0x8f: {  	s1 =	rddreg [dreg:$0x1];
	p0 =	sne.s32 s2, $0x0  }
0x90: {  	s3 =	rddreg [dreg:$0x2];
	[bflag:$0x3] =	sbarrier.arrive $0xFFFF;
	s2 =	simm.s32 @!p0 $0x1C09  }
0x91: {  	[timem:s3], [sflag:s2] =	dma.local @!p0 [hbm:s0], s1  }
0x92: {  	s0 =	simm.s32 @!p0 $0x9  }
0x93: {  	_ =	swait.ge @!p0 [sflag:s0], s1  }
0x94: {  	s1 =	ssub.s32 @!p0 $0x0, s1;
	[sflag:s0] =	ssyncset.done @!p0 $0x0  }
0x95: {  	[sflag:s0] =	ssyncadd.s32 @!p0 s1  }
0x96: {  	[bflag:$0x3] =	sbarrier.arrive $0xFFFF  }
0x97: {  	_ =	shalt  }

// kernel: sparse-core-data-format-call.cloned.1.call-start
scs
called_computation_lowered:
.L_overlay_start_0:
0x0: {  	s2 =	sld [smem:$0x3FD9]  }
0x1: {  	s3 =	sld [smem:$0x3FFE];
	_ =	sdelay $0x1  }
0x2: {  	s1 =	srdreg.scid  }
0x3: {  	s0 =	sand.u32 $0x1, s1  }
0x4: {  	s18 =	sshll.u32 s0, $0xA;
	s2 =	sadd.s32 s3, s2  }
0x5: {  	s2 =	sadd.s32 s2, s18  }
0x6: {  	[smem:$0x3FC6] =	sst s2  }
0x7: {  	_ = 	snop  }
0x8: {  	s2 =	sld [smem:$0x3FD0];
	(tm) =	ssettm $0x1  }
0x9: {  	s19 =	sld [smem:$0x3FFB];
	_ =	sdelay $0x3  }
0xa: {  	_ =	strace s19  }
0xb: {  	s3 =	sld [smem:$0x3FFC];
	_ =	sdelay $0x3  }
0xc: {  	_ =	strace s3  }
0xd: {  	s3 =	sld [smem:$0x3FFD];
	_ =	sdelay $0x3  }
0xe: {  	_ =	strace s3  }
0xf: {  	_ =	strace $0x8FFFFFFF  }
0x10: {  	s20 =	sld [smem:$0x3FDB];
	_ =	sdelay $0x1  }
0x11: {  	s4 =	simm.s32 $_scs_section_size  }
0x12: {  	s5 =	simm.s32 $_size__tile_overlayer_lowered;
	s6 =	simm.s32 $_tile_overlayer_lowered  }
0x13: {  	s23 =	simm.s32 $0x1BFF;
	s22 =	sshll.u32 s6, $0x1;
	s3 =	sadd.s32 s4, s20  }
0x14: {  	s7 =	simm.s32 $0x0;
	s21 =	sshll.u32 s5, $0x1;
	s5 =	sadd.s32 s22, s3  }
0x15: {  	[timem:s7], [sflag:s23] =	dma.local [hbm:s5], s21  }
0x16: {  	_ =	swait.ge [sflag:s23], s21  }
0x17: {  	s4 =	ssub.s32 $0x0, s21;
	[sflag:s23] =	ssyncset.done $0x0  }
0x18: {  	[sflag:s23] =	ssyncadd.s32 s4;
	_ =	sdelay $0x1  }
0x19: {  	s24 =	simm.s32 $0x1B8B  }
0x1a: {  	_ =	swait.ge [sflag:s24], $0x1  }
0x1b: {  	[sflag:s24] =	ssyncset.done $0x0  }
0x1c: {  	s26 =	simm.s32 $0x1B8E;
	s25 =	sld [smem:$0x3FFE];
	[sflag:s24] =	ssyncadd.s32 $0xFFFFFFFF  }
0x1d: {  	s27 =	simm.s32 $execute0_lowered;
	[smem:$0x3FD2] =	sst s26  }
0x1e: {  	s5 =	sshll.u32 s27, $0x1;
	_ =	strace $0x80000049;
	[dreg:$0x1] =	wrdreg $0xFFFFFFFF  }
0x1f: {  	s28 =	simm.s32 $_size_execute0_lowered;
	s3 =	sadd.s32 s3, s5;
	[dreg:$0x0] =	wrdreg $0x0  }
0x20: {  	s5 =	sshll.u32 s28, $0x1;
	[dreg:$0x2] =	wrdreg s3  }
0x21: {  	[dreg:$0x3] =	wrdreg s5  }
0x22: {  	[dreg:$0x4] =	wrdreg $0xC0  }
0x23: {  	_ =	task [dreg:s7], $0x5FFFF  }
0x24: {  	[dreg:$0x1] =	wrdreg $0xFFFFFFFF  }
0x25: {  	[dreg:$0x0] =	wrdreg $0x60  }
0x26: {  	[dreg:$0x2] =	wrdreg s25  }
0x27: {  	[dreg:$0x3] =	wrdreg s2  }
0x28: {  	[dreg:$0x4] =	wrdreg $0x9  }
0x29: {  	_ =	task.clear_ibuf [dreg:s7], $0x5FFFF;
	_ =	strace $0x90000049  }
0x2a: {  	s29 =	simm.s32 $0x9;
	_ =	strace $0x8000004B  }
0x2b: {  	_ =	swait.ge [sflag:s29], $0x1  }
0x2c: {  	[sflag:s29] =	ssyncadd.s32 $0xFFFFFFFF  }
0x2d: {  	_ =	strace $0x9000004B  }
0x2e: {  	_ =	sfence  }
0x2f: {  	s30 =	sld [smem:$0x0];
	_ =	sdelay $0x2  }
0x30: {  	s31 =	sshll.u32 s1, $0xD;
	s1 =	sshrl.u32 s1, $0x2  }
0x31: {  	s3 =	sand.u32 $0x4000, s31;
	s1 =	sadd.s32 s1, s30  }
0x32: {  	s0 =	sor.u32 s3, s0;
	s1 =	sshll.u32 s1, $0x11  }
0x33: {  	s0 =	sor.u32 s1, s0  }
0x34: {  	s0 =	sadd.s32 $0x8F2B, s0  }
0x35: {  	[sflag:s0] =	ssyncadd.remote.s32 $0x1  }
0x36: {  	_ =	sfence.sel $0xFFFF  }
0x37: {  	[dreg:$0x0] =	wrdreg $0xFFFFFFFF;
	(pc) =	sbr.abs _section_cstart, $3  }
0x38: {  	[dreg:$0x1] =	wrdreg $0xFFFFFFFF  }
0x39: {  	_ =	task.clear_ibuf [dreg:s7], $0x2FFFF;
	_ =	strace $0x9FFFFFFF  }
0x3a: {  	(tm) =	ssettm $0x7FFFFFFF  }
0x3b: {  	_ =	shalt  }
tec
execute0_lowered:
.L_overlay_start_1:
0x0: {  	(tag) =	ssettag $0x1  }
0x1: {  	s0 =	srdreg.scid  }
0x2: {  	s1 =	sshll.u32 s0, $0x4  }
0x3: {  	s4 =	rddreg [dreg:$0x0];
	s0 =	stileid.u32;
	s1 =	sand.u32 $0x10, s1  }
0x4: {  	s2 =	rddreg [dreg:$0x1];
	s7 =	simm.s32 $0x1;
	s1 =	sor.u32 s0, s1  }
0x5: {  	s8 =	simm.s32 $0x2;
	s11 =	simm.s32 $0x0;
	s3 =	sshll.u32 s1, $0x7  }
0x6: {  	s10 =	simm.s32 $0x0;
	s4 =	sadd.s32 $0x1000, s4;
	s6 =	ssub.s32 $0xC8000, s3  }
.Ltmp0:
0x7: {  	s1 =	rddreg [dreg:$0x2];
	s5 =	sand.u32 $0xF80, s6;
	(pc) =	sbr.rel .LBB1_1-.Ltmp0, $4  }
0x8: {  	_ =	strace $0x8000004A;
	s9 =	smov.u32 s3;
	p0 =	sne.s32 s5, $0x0  }
0x9: {  	s6 =	sshrl.u32 s6, $0xC;
	s5 =	simm.s32 $0x1;
	s7 =	simm.s32 @!p0 $0x0  }
0xa: {  	[sflag:s5] =	ssyncpa.u1 $0x0;
	p0 =	por $0x0, $0x0;
	s6 =	sadd.s32 s7, s6  }
0xb: {  	[sflag:s8] =	ssyncpa.u1 $0x0;
	s8 =	simm.s32 $0x640000;
	s7 =	sadd.s32 $0x1, s6  }
.LBB1_4:
0xc: {  	s14 =	sshll.u32 s11, $0x3  }
0xd: {  	s30 =	sand.u32 $0x7F, s11;
	s15 =	sand.u32 $0xFFFFFC00, s14  }
0xe: {  	s11 =	sor.u32 s30, s15  }
0xf: {  	s15 =	smulhi.u32 $0x51EB851F, s11  }
0x10: {  	s14 =	smulhi.u32 $0x51EB851F, s14  }
0x11: {  	s15 =	sshrl.u32 s15, $0x12  }
0x12: {  	s14 =	sshrl.u32 s14, $0x12;
	s15 =	smul.u32 $0xC8000, s15  }
0x13: {  	s14 =	sand.u32 $0x3F, s14  }
0x14: {  	s14 =	smul.u32 $0x19000, s14;
	s11 =	ssub.s32 s11, s15  }
0x15: {  	[tilespmem:s13+$0x810 ss:$0x81] =	vst.msk $0xffff, v2;
	s15 =	sand.u32 $0x7, s11  }
0x16: {  	[tilespmem:s13+$0x1020 ss:$0x81] =	vst.msk $0xffff, v0;
	s14 =	sadd.s32 s2, s14;
	s11 =	sshrl.u32 s11, $0x3;
	s15 =	sshll.u32 s15, $0x12  }
0x17: {  	[tilespmem:s13+$0x0 ss:$0x81] =	vst.msk $0xffff, v1;
	s11 =	sadd.s32 s11, s14;
	s31 =	sor.u32 $0x400, s15  }
0x18: {  	[hbm4b:s11+s31] =	stream.strided.scatter [tilespmem:s12], [sflag:$0x2], $0x2000, s8, s31, $0x20;
	[tilespmem:$0x8080] =	vst v63  }
.LBB1_5:
0x19: {  	s13 =	sadd.s32 $0x1000, s9  }
0x1a: {  	p2 =	sgt.s32 s13, $0xC7FFF  }
0x1b: {  	s13 =	smov.u32 @p2 s3;
	p2 =	sne.s32 s10, s7  }
.Ltmp1:
0x1c: {  	p1 =	slt.u32 s10, $0x2;
	(pc) =	sbr.rel @!p2 .LBB1_6-.Ltmp1, $4  }
0x1d: {  	s12 =	simm.s32 @!p1 $0x2  }
0x1e: {  	s14 =	sadd.s32 $0x1, s10;
	_ =	swait.ge @!p1 [sflag:s12], $0x2000  }
0x1f: {  	s11 =	smov.u32 s9;
	p0 =	por !p0, !p0;
	[sflag:s12] =	ssyncset.done @!p1 $0x0  }
0x20: {  	s10 =	smov.u32 s14;
	s9 =	smov.u32 s13;
	[sflag:s12] =	ssyncadd.s32 @!p1 $0xFFFFE000  }
.LBB1_1:
0x21: {  	p1 =	sge.u32 s10, s6  }
0x22: {  	s12 =	sand.u32 @!p1 $0x1FFFFFF, s9  }
0x23: {  	s13 =	smulhi.u32 @!p1 $0x147AE15, s12;
	_ =	sdelay $0x1  }
0x24: {  	s13 =	sshrl.u32 @!p1 s13, $0xC  }
0x25: {  	s13 =	smul.u32 @!p1 $0xC8000, s13;
	_ =	sdelay $0x1  }
0x26: {  	s31 =	sadd.s32 $0xFFFFFFFF, s10;
	s14 =	sxor.u32 @!p1 $0xFFFFFFFF, s10;
	s12 =	ssub.s32 @!p1 s12, s13  }
0x27: {  	s15 =	simm.s32 @!p1 $0x80;
	s14 =	sshll.u32 @!p1 s14, $0xD;
	s12 =	sshll.u32 @!p1 s12, $0x4  }
0x28: {  	s13 =	sand.u32 @!p1 $0x2000, s14;
	s14 =	simm.s32 @!p1 $0x40;
	s12 =	sadd.s32 @!p1 s4, s12  }
0x29: {  	[tilespmem:s13], [sflag:$0x1] =	stream.strided.gather @!p1 [hbm4b:s12+s14], $0x2000, s15, s14, $0x38;
	[tilespmem:$0x8080] =	vst v63  }
0x2a: {  	p1 =	sge.u32 s31, s6  }
.Ltmp2:
0x2b: {  	_ = 	snop;
	(pc) =	sbr.rel @p1 .LBB1_5-.Ltmp2, $1  }
0x2c: {  	_ =	sdelay $0x3  }
0x2d: {  	s12 =	simm.s32 $0x1  }
0x2e: {  	_ =	swait.ge [sflag:s5], $0x2000;
	s12 =	simm.s32 @!p0 $0x0  }
0x2f: {  	[sflag:s5] =	ssyncset.done $0x0;
	s13 =	sshll.u32 s12, $0xD  }
0x30: {  	[sflag:s5] =	ssyncadd.s32 $0xFFFFE000;
	s16 =	sor.u32 $0x20, s13  }
0x31: {  	s12 =	smul.u32 $0x8100, s12;
	v3 =	vld [tilespmem:s16+$0x10]  }
0x32: {  	s30 =	sand.u32 $0x1, s10;
	v2 =	vld [tilespmem:s16+$0xFFFFFFF0]  }
0x33: {  	s13 =	smul.u32 $0x8100, s30;
	s12 =	sshrl.u32 s12, $0x2;
	v0 =	vld [tilespmem:s16+$0x0]  }
0x34: {  	v1 =	vld [tilespmem:s16+$0xFFFFFFE0];
	s14 =	sor.u32 $0x4000, s12  }
0x35: {  	s31 =	sshrl.u32 s13, $0x2;
	s13 =	sadd.s32 $0x0, s14  }
0x36: {  	s15 =	simm.s32 $0x4;
	s16 =	sadd.s32 $0x40, s16;
	s12 =	sor.u32 $0x4000, s31;
	[tilespmem:s13+$0x1830 ss:$0x81] =	vst.msk $0xffff, v3  }
.LBB1_3:
0x37: {  	v3 =	vld [tilespmem:s16+$0x10];
	p1 =	sne.s32 s15, $0x1FC;
	[tilespmem:s13+$0x810 ss:$0x81] =	vst.msk $0xffff, v2;
	s17 =	smov.u32 s15;
	s15 =	sadd.s32 $0x4, s15  }
.Ltmp3:
0x38: {  	v2 =	vld [tilespmem:s16+$0xFFFFFFF0];
	[tilespmem:s13+$0x1020 ss:$0x81] =	vst.msk $0xffff, v0;
	(pc) =	sbr.rel @p1 .LBB1_3-.Ltmp3, $4  }
0x39: {  	v0 =	vld [tilespmem:s16+$0x0];
	[tilespmem:s13+$0x0 ss:$0x81] =	vst.msk $0xffff, v1  }
0x3a: {  	s13 =	sshra.s32 s17, $0x2;
	v1 =	vld [tilespmem:s16+$0xFFFFFFE0]  }
0x3b: {  	s13 =	sadd.s32 s13, s14  }
0x3c: {  	s16 =	sadd.s32 $0x40, s16;
	[tilespmem:s13+$0x1830 ss:$0x81] =	vst.msk $0xffff, v3  }
.Ltmp4:
0x3d: {  	_ = 	snop;
	(pc) =	sbr.rel .LBB1_4-.Ltmp4, $1  }
0x3e: {  	_ =	sdelay $0x3  }
.LBB1_6:
0x3f: {  	_ =	sfence.sel $0x180000  }
0x40: {  	s2 =	simm.s32 $0x1;
	[bflag:$0x0] =	sbarrier.arrive $0xFFFF  }
0x41: {  	s31 =	simm.s32 $0x2;
	[sflag:s2] =	ssyncpa.u1 $0x1  }
0x42: {  	[sflag:s31] =	ssyncpa.u1 $0x1  }
0x43: {  	p0 =	sne.s32 s0, $0x0;
	_ =	strace $0x9000004A  }
0x44: {  	s0 =	sadd.s32 @!p0 $0x100000, s1;
	[bflag:$0x2] =	sbarrier.arrive $0xFFFF  }
0x45: {  	[sflag:s0] =	ssyncadd.tile.s32 @!p0 $0x1;
	_ =	shalt  }
.Lfunc_end1:
_tile_overlayer_lowered:
.L_overlay_start_2:
0x46: {  	(tag) =	ssettag $0x2  }
0x47: {  	s0 =	rddreg [dreg:$0x0];
	s2 =	stileid.u32  }
0x48: {  	s1 =	rddreg [dreg:$0x1];
	p0 =	sne.s32 s2, $0x0  }
0x49: {  	s3 =	rddreg [dreg:$0x2];
	[bflag:$0x3] =	sbarrier.arrive $0xFFFF;
	s2 =	simm.s32 @!p0 $0x1C01  }
0x4a: {  	[timem:s3], [sflag:s2] =	dma.local @!p0 [hbm:s0], s1  }
0x4b: {  	s0 =	simm.s32 @!p0 $0x1  }
0x4c: {  	_ =	swait.ge @!p0 [sflag:s0], s1  }
0x4d: {  	s1 =	ssub.s32 @!p0 $0x0, s1;
	[sflag:s0] =	ssyncset.done @!p0 $0x0  }
0x4e: {  	[sflag:s0] =	ssyncadd.s32 @!p0 s1  }
0x4f: {  	[bflag:$0x3] =	sbarrier.arrive $0xFFFF  }
0x50: {  	_ =	shalt  }

</sc_bundles>
